<compile_context>
chip_gen: v7x
topology: tpu7x:2x2x1
jax: 0.10.2.dev20260603
libtpu: 0.0.44.dev20260713+nightly
codegen_flags: <defaults>
</compile_context>

<pallas_src>
import functools

import jax
import jax.numpy as jnp
from jax import lax
from jax.experimental import pallas as pl
from jax.experimental.pallas import tpu as pltpu
from jax.experimental.pallas import tpu_sc as plsc

_N = 5000
_NPAD = 5120
_NSC = 512
_NTC = _N - _NSC
_BI = 1496
_THRESHOLD = 0.8


def _tc_kernel(rows_ref, cols_ref, out_ref):
    x1i = rows_ref[:, 0:1]
    y1i = rows_ref[:, 1:2]
    x2i = rows_ref[:, 2:3]
    y2i = rows_ref[:, 3:4]
    x1j = cols_ref[0:1, :]
    y1j = cols_ref[1:2, :]
    x2j = cols_ref[2:3, :]
    y2j = cols_ref[3:4, :]
    aj = (x2j - x1j) * (y2j - y1j)
    ajb = jnp.broadcast_to(aj, (_BI, _NPAD))
    z = jnp.zeros((_BI, _NPAD), jnp.float32)
    contrib = jnp.where(
        (x1j >= x1i) & (y1j >= y1i),
        jnp.where((x2j <= x2i) & (y2j <= y2i), ajb, z),
        z,
    )
    s = jnp.sum(contrib, axis=1, keepdims=True)
    ai = (x2i - x1i) * (y2i - y1i)
    keep = (s - ai) <= _THRESHOLD * (ai + 1e-9)
    out_ref[:, :] = rows_ref[:, :] * keep.astype(jnp.float32)


@functools.partial(
    pl.kernel,
    out_type=jax.ShapeDtypeStruct((_NSC,), jnp.float32),
    mesh=plsc.VectorSubcoreMesh(core_axis_name="c", subcore_axis_name="s"),
    scratch_types=[
        pltpu.VMEM((8, _NPAD), jnp.float32),
        pltpu.VMEM((4, 16), jnp.float32),
        pltpu.VMEM((16,), jnp.float32),
    ],
)
def _sc_kernel(cols_hbm, rows_flat_hbm, keep_hbm, cols_v, rows_v, keep_v):
    wid = lax.axis_index("s") * 2 + lax.axis_index("c")
    base = wid * 16
    pltpu.sync_copy(cols_hbm, cols_v)
    for k in range(4):
        pltpu.sync_copy(
            rows_flat_hbm.at[pl.ds(k * _NSC + base, 16)], rows_v.at[k]
        )
    x1i_v = rows_v[0, :]
    y1i_v = rows_v[1, :]
    x2i_v = rows_v[2, :]
    y2i_v = rows_v[3, :]
    z16 = jnp.zeros((16,), jnp.float32)

    def chunk_body(ci, s16):
        c0 = cols_v[0, pl.ds(ci * 16, 16)]
        c1 = cols_v[1, pl.ds(ci * 16, 16)]
        c2 = cols_v[2, pl.ds(ci * 16, 16)]
        c3 = cols_v[3, pl.ds(ci * 16, 16)]
        for k in range(16):
            x1j = jnp.full((16,), c0[k])
            y1j = jnp.full((16,), c1[k])
            x2j = jnp.full((16,), c2[k])
            y2j = jnp.full((16,), c3[k])
            aj = (x2j - x1j) * (y2j - y1j)
            contrib = jnp.where(
                (x1j >= x1i_v) & (y1j >= y1i_v),
                jnp.where((x2j <= x2i_v) & (y2j <= y2i_v), aj, z16),
                z16,
            )
            s16 = s16 + contrib
        return s16

    s16 = lax.fori_loop(0, _NPAD // 16, chunk_body, z16)
    ai_v = (x2i_v - x1i_v) * (y2i_v - y1i_v)
    keep = (s16 - ai_v) <= _THRESHOLD * (ai_v + 1e-9)
    keep_v[:] = jnp.where(keep, jnp.ones((16,), jnp.float32), z16)
    pltpu.sync_copy(keep_v, keep_hbm.at[pl.ds(wid * 16, 16)])


@jax.jit
def kernel(boxes):
    cols = jnp.zeros((8, _NPAD), jnp.float32).at[:4, :_N].set(boxes.T)
    out_tc = pl.pallas_call(
        _tc_kernel,
        grid=(_NTC // _BI,),
        in_specs=[
            pl.BlockSpec((_BI, 4), lambda i: (i, 0)),
            pl.BlockSpec((8, _NPAD), lambda i: (0, 0)),
        ],
        out_specs=pl.BlockSpec((_BI, 4), lambda i: (i, 0)),
        out_shape=jax.ShapeDtypeStruct((_NTC, 4), jnp.float32),
        compiler_params=pltpu.CompilerParams(
            dimension_semantics=("arbitrary",),
        ),
    )(boxes[:_NTC], cols)
    rows_flat = cols[0:4, _NTC:_N].reshape(4 * _NSC)
    keep_sc = _sc_kernel(cols, rows_flat)
    out_sc = boxes[_NTC:] * keep_sc[:, None]
    return jnp.concatenate([out_tc, out_sc], axis=0)

# --- scband reference (transcript-rebuilt; emitter-appended) ---
"""Pipeline reference for scband-multi-instance-prior-filter-73289321939316 (READ-ONLY COPY).

The authoritative reference and input builder live on the scoring server;
editing this copy changes nothing except your own understanding.
"""

import jax, jax.numpy as jnp
import numpy as np

THRESHOLD = 0.8
N = 5000

def setup_inputs(seed: int = 0) -> dict:
    key = jax.random.key(seed)
    k1, k2 = jax.random.split(key)
    # valid boxes in a 1024x1024 canvas: x1,y1 corners + positive width/height
    xy = jax.random.uniform(k1, (N, 2), dtype=jnp.float32) * 900.0
    wh = jax.random.uniform(k2, (N, 2), dtype=jnp.float32) * 120.0 + 2.0
    boxes = jnp.concatenate([xy, xy + wh], axis=1)  # [N,4] x1,y1,x2,y2
    return {"boxes": boxes}

def reference(boxes):
    # Faithful port of MultiInstancePriorFilter.filter_contained_boxes.
    # Output keeps fixed shape [N,4]: filtered (contained-heavy) boxes are zeroed
    # instead of removed, which is the jit-friendly fixed-shape equivalent of
    # boxes[keep_idx].
    n = boxes.shape[0]
    x1, y1, x2, y2 = boxes[:, 0], boxes[:, 1], boxes[:, 2], boxes[:, 3]
    areas = (x2 - x1) * (y2 - y1)
    order = jnp.argsort(-areas)  # descending by area
    sorted_areas = areas[order]
    sb = boxes[order]
    sx1, sy1, sx2, sy2 = sb[:, 0], sb[:, 1], sb[:, 2], sb[:, 3]
    is_contained = (
        (sx1[None, :] >= sx1[:, None])
        & (sy1[None, :] >= sy1[:, None])
        & (sx2[None, :] <= sx2[:, None])
        & (sy2[None, :] <= sy2[:, None])
    )
    is_contained = is_contained & (~jnp.eye(n, dtype=bool))
    contained_area_sum = (is_contained.astype(jnp.float32) * sorted_areas[None, :]).sum(axis=1)
    keep_sorted = contained_area_sum <= THRESHOLD * (sorted_areas + 1e-9)
    # scatter keep mask back to original box ordering
    keep_orig = jnp.zeros((n,), dtype=bool).at[order].set(keep_sorted)
    out = boxes * keep_orig[:, None].astype(boxes.dtype)
    return out

if __name__ == "__main__":
    import jax
    _d = setup_inputs()
    print(jax.jit(kernel)(*tuple(_d.values())))

</pallas_src>

<mosaic_0001>
#map = affine_map<(d0, d1) -> (0, 0)>
#map1 = affine_map<(d0, d1) -> (0)>
module attributes {stable_mosaic.version = 14 : i64} {
  func.func @_sc_kernel(%arg0: i32, %arg1: i32, %arg2: memref<8x5120xf32, #tpu.memory_space<hbm>>, %arg3: memref<2048xf32, #tpu.memory_space<hbm>>, %arg4: memref<512xf32, #tpu.memory_space<hbm>>, %arg5: memref<8x5120xf32, #tpu.memory_space<vmem>>, %arg6: memref<4x16xf32, #tpu.memory_space<vmem>>, %arg7: memref<16xf32, #tpu.memory_space<vmem>>) attributes {dimension_semantics = [#tpu.dimension_semantics<core_parallel>, #tpu.dimension_semantics<subcore_parallel>], iteration_bounds = array<i64: 2, 16>, scalar_prefetch = 0 : i64, scratch_operands = 3 : i64, tpu.core_type = #tpu.core_type<sc_vector_subcore>, window_params = [{transform_indices = #map}, {transform_indices = #map1}, {transform_indices = #map1}]} {
    %mul3A = arith.constant 2 : i32
    %mul3A_0 = arith.muli %arg1, %mul3A : i32
    %add3A = arith.addi %mul3A_0, %arg0 : i32
    %mul3A_1 = arith.constant 16 : i32
    %mul3A_2 = arith.muli %add3A, %mul3A_1 : i32
    "tpu.region"() ({
      %run_scoped3A_55 = tpu.sem_alloc : memref<!tpu.dma_semaphore, #tpu.memory_space<semaphore_mem>>
      tpu.enqueue_dma source(%arg2 : memref<8x5120xf32, #tpu.memory_space<hbm>>) target(%arg5 : memref<8x5120xf32, #tpu.memory_space<vmem>>) target_semaphore(%run_scoped3A_55 : memref<!tpu.dma_semaphore, #tpu.memory_space<semaphore_mem>>)
      tpu.wait_dma2 semaphore(%run_scoped3A_55 : memref<!tpu.dma_semaphore, #tpu.memory_space<semaphore_mem>>) src(%arg2 : memref<8x5120xf32, #tpu.memory_space<hbm>>) dst(%arg5 : memref<8x5120xf32, #tpu.memory_space<vmem>>)
      tpu.yield
    }) : () -> ()
    %add3A_3 = arith.constant 0 : i32
    %add3A_4 = arith.addi %add3A_3, %mul3A_2 : i32
    %run_scoped3A = arith.constant 0 : i32
    "tpu.region"() ({
      %run_scoped3A_55 = tpu.sem_alloc : memref<!tpu.dma_semaphore, #tpu.memory_space<semaphore_mem>>
      %dma_start3A = arith.constant 0 : i32
      %dma_start3A_56 = tpu.memref_slice %arg6[%run_scoped3A, %dma_start3A] : memref<4x16xf32, #tpu.memory_space<vmem>> -> memref<1x16xf32, #tpu.memory_space<vmem>>
      %dma_start3A_57 = tpu.memref_squeeze %dma_start3A_56 : memref<1x16xf32, #tpu.memory_space<vmem>> -> memref<16xf32, #tpu.memory_space<vmem>>
      %dma_start3A_58 = tpu.memref_slice %arg3[%add3A_4] : memref<2048xf32, #tpu.memory_space<hbm>> -> memref<16xf32, #tpu.memory_space<hbm>>
      %dma_start3A_59 = arith.constant 0 : i32
      %dma_start3A_60 = tpu.memref_slice %arg6[%run_scoped3A, %dma_start3A_59] : memref<4x16xf32, #tpu.memory_space<vmem>> -> memref<1x16xf32, #tpu.memory_space<vmem>>
      %dma_start3A_61 = tpu.memref_squeeze %dma_start3A_60 : memref<1x16xf32, #tpu.memory_space<vmem>> -> memref<16xf32, #tpu.memory_space<vmem>>
      %dma_start3A_62 = tpu.memref_slice %arg3[%add3A_4] : memref<2048xf32, #tpu.memory_space<hbm>> -> memref<16xf32, #tpu.memory_space<hbm>>
      tpu.enqueue_dma source(%dma_start3A_62 : memref<16xf32, #tpu.memory_space<hbm>>) target(%dma_start3A_61 : memref<16xf32, #tpu.memory_space<vmem>>) target_semaphore(%run_scoped3A_55 : memref<!tpu.dma_semaphore, #tpu.memory_space<semaphore_mem>>)
      %dma_wait3A = arith.constant 0 : i32
      %dma_wait3A_63 = tpu.memref_slice %arg6[%run_scoped3A, %dma_wait3A] : memref<4x16xf32, #tpu.memory_space<vmem>> -> memref<1x16xf32, #tpu.memory_space<vmem>>
      %dma_wait3A_64 = tpu.memref_squeeze %dma_wait3A_63 : memref<1x16xf32, #tpu.memory_space<vmem>> -> memref<16xf32, #tpu.memory_space<vmem>>
      %dma_wait3A_65 = tpu.memref_slice %arg3[%add3A_4] : memref<2048xf32, #tpu.memory_space<hbm>> -> memref<16xf32, #tpu.memory_space<hbm>>
      %dma_wait3A_66 = arith.constant 0 : i32
      %dma_wait3A_67 = tpu.memref_slice %arg6[%run_scoped3A, %dma_wait3A_66] : memref<4x16xf32, #tpu.memory_space<vmem>> -> memref<1x16xf32, #tpu.memory_space<vmem>>
      %dma_wait3A_68 = tpu.memref_squeeze %dma_wait3A_67 : memref<1x16xf32, #tpu.memory_space<vmem>> -> memref<16xf32, #tpu.memory_space<vmem>>
      %dma_wait3A_69 = tpu.memref_slice %arg3[%add3A_4] : memref<2048xf32, #tpu.memory_space<hbm>> -> memref<16xf32, #tpu.memory_space<hbm>>
      tpu.wait_dma2 semaphore(%run_scoped3A_55 : memref<!tpu.dma_semaphore, #tpu.memory_space<semaphore_mem>>) src(%dma_wait3A_69 : memref<16xf32, #tpu.memory_space<hbm>>) dst(%dma_wait3A_68 : memref<16xf32, #tpu.memory_space<vmem>>)
      tpu.yield
    }) : () -> ()
    %add3A_5 = arith.constant 512 : i32
    %add3A_6 = arith.addi %add3A_5, %mul3A_2 : i32
    %run_scoped3A_7 = arith.constant 1 : i32
    "tpu.region"() ({
      %run_scoped3A_55 = tpu.sem_alloc : memref<!tpu.dma_semaphore, #tpu.memory_space<semaphore_mem>>
      %dma_start3A = arith.constant 0 : i32
      %dma_start3A_56 = tpu.memref_slice %arg6[%run_scoped3A_7, %dma_start3A] : memref<4x16xf32, #tpu.memory_space<vmem>> -> memref<1x16xf32, #tpu.memory_space<vmem>>
      %dma_start3A_57 = tpu.memref_squeeze %dma_start3A_56 : memref<1x16xf32, #tpu.memory_space<vmem>> -> memref<16xf32, #tpu.memory_space<vmem>>
      %dma_start3A_58 = tpu.memref_slice %arg3[%add3A_6] : memref<2048xf32, #tpu.memory_space<hbm>> -> memref<16xf32, #tpu.memory_space<hbm>>
      %dma_start3A_59 = arith.constant 0 : i32
      %dma_start3A_60 = tpu.memref_slice %arg6[%run_scoped3A_7, %dma_start3A_59] : memref<4x16xf32, #tpu.memory_space<vmem>> -> memref<1x16xf32, #tpu.memory_space<vmem>>
      %dma_start3A_61 = tpu.memref_squeeze %dma_start3A_60 : memref<1x16xf32, #tpu.memory_space<vmem>> -> memref<16xf32, #tpu.memory_space<vmem>>
      %dma_start3A_62 = tpu.memref_slice %arg3[%add3A_6] : memref<2048xf32, #tpu.memory_space<hbm>> -> memref<16xf32, #tpu.memory_space<hbm>>
      tpu.enqueue_dma source(%dma_start3A_62 : memref<16xf32, #tpu.memory_space<hbm>>) target(%dma_start3A_61 : memref<16xf32, #tpu.memory_space<vmem>>) target_semaphore(%run_scoped3A_55 : memref<!tpu.dma_semaphore, #tpu.memory_space<semaphore_mem>>)
      %dma_wait3A = arith.constant 0 : i32
      %dma_wait3A_63 = tpu.memref_slice %arg6[%run_scoped3A_7, %dma_wait3A] : memref<4x16xf32, #tpu.memory_space<vmem>> -> memref<1x16xf32, #tpu.memory_space<vmem>>
      %dma_wait3A_64 = tpu.memref_squeeze %dma_wait3A_63 : memref<1x16xf32, #tpu.memory_space<vmem>> -> memref<16xf32, #tpu.memory_space<vmem>>
      %dma_wait3A_65 = tpu.memref_slice %arg3[%add3A_6] : memref<2048xf32, #tpu.memory_space<hbm>> -> memref<16xf32, #tpu.memory_space<hbm>>
      %dma_wait3A_66 = arith.constant 0 : i32
      %dma_wait3A_67 = tpu.memref_slice %arg6[%run_scoped3A_7, %dma_wait3A_66] : memref<4x16xf32, #tpu.memory_space<vmem>> -> memref<1x16xf32, #tpu.memory_space<vmem>>
      %dma_wait3A_68 = tpu.memref_squeeze %dma_wait3A_67 : memref<1x16xf32, #tpu.memory_space<vmem>> -> memref<16xf32, #tpu.memory_space<vmem>>
      %dma_wait3A_69 = tpu.memref_slice %arg3[%add3A_6] : memref<2048xf32, #tpu.memory_space<hbm>> -> memref<16xf32, #tpu.memory_space<hbm>>
      tpu.wait_dma2 semaphore(%run_scoped3A_55 : memref<!tpu.dma_semaphore, #tpu.memory_space<semaphore_mem>>) src(%dma_wait3A_69 : memref<16xf32, #tpu.memory_space<hbm>>) dst(%dma_wait3A_68 : memref<16xf32, #tpu.memory_space<vmem>>)
      tpu.yield
    }) : () -> ()
    %add3A_8 = arith.constant 1024 : i32
    %add3A_9 = arith.addi %add3A_8, %mul3A_2 : i32
    %run_scoped3A_10 = arith.constant 2 : i32
    "tpu.region"() ({
      %run_scoped3A_55 = tpu.sem_alloc : memref<!tpu.dma_semaphore, #tpu.memory_space<semaphore_mem>>
      %dma_start3A = arith.constant 0 : i32
      %dma_start3A_56 = tpu.memref_slice %arg6[%run_scoped3A_10, %dma_start3A] : memref<4x16xf32, #tpu.memory_space<vmem>> -> memref<1x16xf32, #tpu.memory_space<vmem>>
      %dma_start3A_57 = tpu.memref_squeeze %dma_start3A_56 : memref<1x16xf32, #tpu.memory_space<vmem>> -> memref<16xf32, #tpu.memory_space<vmem>>
      %dma_start3A_58 = tpu.memref_slice %arg3[%add3A_9] : memref<2048xf32, #tpu.memory_space<hbm>> -> memref<16xf32, #tpu.memory_space<hbm>>
      %dma_start3A_59 = arith.constant 0 : i32
      %dma_start3A_60 = tpu.memref_slice %arg6[%run_scoped3A_10, %dma_start3A_59] : memref<4x16xf32, #tpu.memory_space<vmem>> -> memref<1x16xf32, #tpu.memory_space<vmem>>
      %dma_start3A_61 = tpu.memref_squeeze %dma_start3A_60 : memref<1x16xf32, #tpu.memory_space<vmem>> -> memref<16xf32, #tpu.memory_space<vmem>>
      %dma_start3A_62 = tpu.memref_slice %arg3[%add3A_9] : memref<2048xf32, #tpu.memory_space<hbm>> -> memref<16xf32, #tpu.memory_space<hbm>>
      tpu.enqueue_dma source(%dma_start3A_62 : memref<16xf32, #tpu.memory_space<hbm>>) target(%dma_start3A_61 : memref<16xf32, #tpu.memory_space<vmem>>) target_semaphore(%run_scoped3A_55 : memref<!tpu.dma_semaphore, #tpu.memory_space<semaphore_mem>>)
      %dma_wait3A = arith.constant 0 : i32
      %dma_wait3A_63 = tpu.memref_slice %arg6[%run_scoped3A_10, %dma_wait3A] : memref<4x16xf32, #tpu.memory_space<vmem>> -> memref<1x16xf32, #tpu.memory_space<vmem>>
      %dma_wait3A_64 = tpu.memref_squeeze %dma_wait3A_63 : memref<1x16xf32, #tpu.memory_space<vmem>> -> memref<16xf32, #tpu.memory_space<vmem>>
      %dma_wait3A_65 = tpu.memref_slice %arg3[%add3A_9] : memref<2048xf32, #tpu.memory_space<hbm>> -> memref<16xf32, #tpu.memory_space<hbm>>
      %dma_wait3A_66 = arith.constant 0 : i32
      %dma_wait3A_67 = tpu.memref_slice %arg6[%run_scoped3A_10, %dma_wait3A_66] : memref<4x16xf32, #tpu.memory_space<vmem>> -> memref<1x16xf32, #tpu.memory_space<vmem>>
      %dma_wait3A_68 = tpu.memref_squeeze %dma_wait3A_67 : memref<1x16xf32, #tpu.memory_space<vmem>> -> memref<16xf32, #tpu.memory_space<vmem>>
      %dma_wait3A_69 = tpu.memref_slice %arg3[%add3A_9] : memref<2048xf32, #tpu.memory_space<hbm>> -> memref<16xf32, #tpu.memory_space<hbm>>
      tpu.wait_dma2 semaphore(%run_scoped3A_55 : memref<!tpu.dma_semaphore, #tpu.memory_space<semaphore_mem>>) src(%dma_wait3A_69 : memref<16xf32, #tpu.memory_space<hbm>>) dst(%dma_wait3A_68 : memref<16xf32, #tpu.memory_space<vmem>>)
      tpu.yield
    }) : () -> ()
    %add3A_11 = arith.constant 1536 : i32
    %add3A_12 = arith.addi %add3A_11, %mul3A_2 : i32
    %run_scoped3A_13 = arith.constant 3 : i32
    "tpu.region"() ({
      %run_scoped3A_55 = tpu.sem_alloc : memref<!tpu.dma_semaphore, #tpu.memory_space<semaphore_mem>>
      %dma_start3A = arith.constant 0 : i32
      %dma_start3A_56 = tpu.memref_slice %arg6[%run_scoped3A_13, %dma_start3A] : memref<4x16xf32, #tpu.memory_space<vmem>> -> memref<1x16xf32, #tpu.memory_space<vmem>>
      %dma_start3A_57 = tpu.memref_squeeze %dma_start3A_56 : memref<1x16xf32, #tpu.memory_space<vmem>> -> memref<16xf32, #tpu.memory_space<vmem>>
      %dma_start3A_58 = tpu.memref_slice %arg3[%add3A_12] : memref<2048xf32, #tpu.memory_space<hbm>> -> memref<16xf32, #tpu.memory_space<hbm>>
      %dma_start3A_59 = arith.constant 0 : i32
      %dma_start3A_60 = tpu.memref_slice %arg6[%run_scoped3A_13, %dma_start3A_59] : memref<4x16xf32, #tpu.memory_space<vmem>> -> memref<1x16xf32, #tpu.memory_space<vmem>>
      %dma_start3A_61 = tpu.memref_squeeze %dma_start3A_60 : memref<1x16xf32, #tpu.memory_space<vmem>> -> memref<16xf32, #tpu.memory_space<vmem>>
      %dma_start3A_62 = tpu.memref_slice %arg3[%add3A_12] : memref<2048xf32, #tpu.memory_space<hbm>> -> memref<16xf32, #tpu.memory_space<hbm>>
      tpu.enqueue_dma source(%dma_start3A_62 : memref<16xf32, #tpu.memory_space<hbm>>) target(%dma_start3A_61 : memref<16xf32, #tpu.memory_space<vmem>>) target_semaphore(%run_scoped3A_55 : memref<!tpu.dma_semaphore, #tpu.memory_space<semaphore_mem>>)
      %dma_wait3A = arith.constant 0 : i32
      %dma_wait3A_63 = tpu.memref_slice %arg6[%run_scoped3A_13, %dma_wait3A] : memref<4x16xf32, #tpu.memory_space<vmem>> -> memref<1x16xf32, #tpu.memory_space<vmem>>
      %dma_wait3A_64 = tpu.memref_squeeze %dma_wait3A_63 : memref<1x16xf32, #tpu.memory_space<vmem>> -> memref<16xf32, #tpu.memory_space<vmem>>
      %dma_wait3A_65 = tpu.memref_slice %arg3[%add3A_12] : memref<2048xf32, #tpu.memory_space<hbm>> -> memref<16xf32, #tpu.memory_space<hbm>>
      %dma_wait3A_66 = arith.constant 0 : i32
      %dma_wait3A_67 = tpu.memref_slice %arg6[%run_scoped3A_13, %dma_wait3A_66] : memref<4x16xf32, #tpu.memory_space<vmem>> -> memref<1x16xf32, #tpu.memory_space<vmem>>
      %dma_wait3A_68 = tpu.memref_squeeze %dma_wait3A_67 : memref<1x16xf32, #tpu.memory_space<vmem>> -> memref<16xf32, #tpu.memory_space<vmem>>
      %dma_wait3A_69 = tpu.memref_slice %arg3[%add3A_12] : memref<2048xf32, #tpu.memory_space<hbm>> -> memref<16xf32, #tpu.memory_space<hbm>>
      tpu.wait_dma2 semaphore(%run_scoped3A_55 : memref<!tpu.dma_semaphore, #tpu.memory_space<semaphore_mem>>) src(%dma_wait3A_69 : memref<16xf32, #tpu.memory_space<hbm>>) dst(%dma_wait3A_68 : memref<16xf32, #tpu.memory_space<vmem>>)
      tpu.yield
    }) : () -> ()
    %get3A = arith.constant 0 : i32
    %get3A_14 = arith.index_cast %get3A : i32 to index
    %get3A_15 = arith.constant 0 : index
    %get3A_16 = tpu.vector_load %arg6[%get3A_14, %get3A_15] {strides = array<i32>} : memref<4x16xf32, #tpu.memory_space<vmem>>, vector<1x16xf32>,
    %get3A_17 = vector.shape_cast %get3A_16 : vector<1x16xf32> to vector<16xf32>
    %get3A_18 = arith.constant 1 : i32
    %get3A_19 = arith.index_cast %get3A_18 : i32 to index
    %get3A_20 = arith.constant 0 : index
    %get3A_21 = tpu.vector_load %arg6[%get3A_19, %get3A_20] {strides = array<i32>} : memref<4x16xf32, #tpu.memory_space<vmem>>, vector<1x16xf32>,
    %get3A_22 = vector.shape_cast %get3A_21 : vector<1x16xf32> to vector<16xf32>
    %get3A_23 = arith.constant 2 : i32
    %get3A_24 = arith.index_cast %get3A_23 : i32 to index
    %get3A_25 = arith.constant 0 : index
    %get3A_26 = tpu.vector_load %arg6[%get3A_24, %get3A_25] {strides = array<i32>} : memref<4x16xf32, #tpu.memory_space<vmem>>, vector<1x16xf32>,
    %get3A_27 = vector.shape_cast %get3A_26 : vector<1x16xf32> to vector<16xf32>
    %get3A_28 = arith.constant 3 : i32
    %get3A_29 = arith.index_cast %get3A_28 : i32 to index
    %get3A_30 = arith.constant 0 : index
    %get3A_31 = tpu.vector_load %arg6[%get3A_29, %get3A_30] {strides = array<i32>} : memref<4x16xf32, #tpu.memory_space<vmem>>, vector<1x16xf32>,
    %get3A_32 = vector.shape_cast %get3A_31 : vector<1x16xf32> to vector<16xf32>
    %broadcast_in_dim3A = arith.constant 0.000000e+00 : f32
    %broadcast_in_dim3A_33 = vector.broadcast %broadcast_in_dim3A : f32 to vector<16xf32>
    %scan3A = arith.constant 0 : i32
    %scan3A_34 = arith.constant 320 : i32
    %scan3A_35 = arith.addi %scan3A, %scan3A_34 : i32
    %scan3A_36 = arith.constant 1 : i32
    %scan3A_37 = scf.for %scan3A_55 = %scan3A to %scan3A_35 step %scan3A_36 iter_args(%scan3A_56 = %broadcast_in_dim3A_33) -> (vector<16xf32>)  : i32 {
      %mul3A_57 = arith.constant 16 : i32
      %mul3A_58 = arith.muli %scan3A_55, %mul3A_57 : i32
      %get3A_59 = arith.constant 0 : i32
      %get3A_60 = arith.index_cast %get3A_59 : i32 to index
      %get3A_61 = arith.index_cast %mul3A_58 : i32 to index
      %get3A_62 = tpu.vector_load %arg5[%get3A_60, %get3A_61] {strides = array<i32>} : memref<8x5120xf32, #tpu.memory_space<vmem>>, vector<1x16xf32>,
      %get3A_63 = vector.shape_cast %get3A_62 : vector<1x16xf32> to vector<16xf32>
      %mul3A_64 = arith.constant 16 : i32
      %mul3A_65 = arith.muli %scan3A_55, %mul3A_64 : i32
      %get3A_66 = arith.constant 1 : i32
      %get3A_67 = arith.index_cast %get3A_66 : i32 to index
      %get3A_68 = arith.index_cast %mul3A_65 : i32 to index
      %get3A_69 = tpu.vector_load %arg5[%get3A_67, %get3A_68] {strides = array<i32>} : memref<8x5120xf32, #tpu.memory_space<vmem>>, vector<1x16xf32>,
      %get3A_70 = vector.shape_cast %get3A_69 : vector<1x16xf32> to vector<16xf32>
      %mul3A_71 = arith.constant 16 : i32
      %mul3A_72 = arith.muli %scan3A_55, %mul3A_71 : i32
      %get3A_73 = arith.constant 2 : i32
      %get3A_74 = arith.index_cast %get3A_73 : i32 to index
      %get3A_75 = arith.index_cast %mul3A_72 : i32 to index
      %get3A_76 = tpu.vector_load %arg5[%get3A_74, %get3A_75] {strides = array<i32>} : memref<8x5120xf32, #tpu.memory_space<vmem>>, vector<1x16xf32>,
      %get3A_77 = vector.shape_cast %get3A_76 : vector<1x16xf32> to vector<16xf32>
      %mul3A_78 = arith.constant 16 : i32
      %mul3A_79 = arith.muli %scan3A_55, %mul3A_78 : i32
      %get3A_80 = arith.constant 3 : i32
      %get3A_81 = arith.index_cast %get3A_80 : i32 to index
      %get3A_82 = arith.index_cast %mul3A_79 : i32 to index
      %get3A_83 = tpu.vector_load %arg5[%get3A_81, %get3A_82] {strides = array<i32>} : memref<8x5120xf32, #tpu.memory_space<vmem>>, vector<1x16xf32>,
      %get3A_84 = vector.shape_cast %get3A_83 : vector<1x16xf32> to vector<16xf32>
      %slice3A = vector.extract_strided_slice %get3A_63 {offsets = [0], sizes = [1], strides = [1]} : vector<16xf32> to vector<1xf32>
      %squeeze3A = vector.extract %slice3A[0] : f32 from vector<1xf32>
      %broadcast_in_dim3A_85 = vector.broadcast %squeeze3A : f32 to vector<16xf32>
      %slice3A_86 = vector.extract_strided_slice %get3A_70 {offsets = [0], sizes = [1], strides = [1]} : vector<16xf32> to vector<1xf32>
      %squeeze3A_87 = vector.extract %slice3A_86[0] : f32 from vector<1xf32>
      %broadcast_in_dim3A_88 = vector.broadcast %squeeze3A_87 : f32 to vector<16xf32>
      %slice3A_89 = vector.extract_strided_slice %get3A_77 {offsets = [0], sizes = [1], strides = [1]} : vector<16xf32> to vector<1xf32>
      %squeeze3A_90 = vector.extract %slice3A_89[0] : f32 from vector<1xf32>
      %broadcast_in_dim3A_91 = vector.broadcast %squeeze3A_90 : f32 to vector<16xf32>
      %slice3A_92 = vector.extract_strided_slice %get3A_84 {offsets = [0], sizes = [1], strides = [1]} : vector<16xf32> to vector<1xf32>
      %squeeze3A_93 = vector.extract %slice3A_92[0] : f32 from vector<1xf32>
      %broadcast_in_dim3A_94 = vector.broadcast %squeeze3A_93 : f32 to vector<16xf32>
      %sub3A_95 = arith.subf %broadcast_in_dim3A_91, %broadcast_in_dim3A_85 : vector<16xf32>
      %sub3A_96 = arith.subf %broadcast_in_dim3A_94, %broadcast_in_dim3A_88 : vector<16xf32>
      %mul3A_97 = arith.mulf %sub3A_95, %sub3A_96 : vector<16xf32>
      %ge3A = arith.cmpf oge, %broadcast_in_dim3A_85, %get3A_17 : vector<16xf32>
      %ge3A_98 = arith.cmpf oge, %broadcast_in_dim3A_88, %get3A_22 : vector<16xf32>
      %and3A = arith.andi %ge3A, %ge3A_98 : vector<16xi1>
      %le3A_99 = arith.cmpf ole, %broadcast_in_dim3A_91, %get3A_27 : vector<16xf32>
      %le3A_100 = arith.cmpf ole, %broadcast_in_dim3A_94, %get3A_32 : vector<16xf32>
      %and3A_101 = arith.andi %le3A_99, %le3A_100 : vector<16xi1>
      %select_n3A_102 = arith.select %and3A_101, %mul3A_97, %broadcast_in_dim3A_33 : vector<16xi1>, vector<16xf32>
      %select_n3A_103 = arith.select %and3A, %select_n3A_102, %broadcast_in_dim3A_33 : vector<16xi1>, vector<16xf32>
      %add3A_104 = arith.addf %scan3A_56, %select_n3A_103 : vector<16xf32>
      %slice3A_105 = vector.extract_strided_slice %get3A_63 {offsets = [1], sizes = [1], strides = [1]} : vector<16xf32> to vector<1xf32>
      %squeeze3A_106 = vector.extract %slice3A_105[0] : f32 from vector<1xf32>
      %broadcast_in_dim3A_107 = vector.broadcast %squeeze3A_106 : f32 to vector<16xf32>
      %slice3A_108 = vector.extract_strided_slice %get3A_70 {offsets = [1], sizes = [1], strides = [1]} : vector<16xf32> to vector<1xf32>
      %squeeze3A_109 = vector.extract %slice3A_108[0] : f32 from vector<1xf32>
      %broadcast_in_dim3A_110 = vector.broadcast %squeeze3A_109 : f32 to vector<16xf32>
      %slice3A_111 = vector.extract_strided_slice %get3A_77 {offsets = [1], sizes = [1], strides = [1]} : vector<16xf32> to vector<1xf32>
      %squeeze3A_112 = vector.extract %slice3A_111[0] : f32 from vector<1xf32>
      %broadcast_in_dim3A_113 = vector.broadcast %squeeze3A_112 : f32 to vector<16xf32>
      %slice3A_114 = vector.extract_strided_slice %get3A_84 {offsets = [1], sizes = [1], strides = [1]} : vector<16xf32> to vector<1xf32>
      %squeeze3A_115 = vector.extract %slice3A_114[0] : f32 from vector<1xf32>
      %broadcast_in_dim3A_116 = vector.broadcast %squeeze3A_115 : f32 to vector<16xf32>
      %sub3A_117 = arith.subf %broadcast_in_dim3A_113, %broadcast_in_dim3A_107 : vector<16xf32>
      %sub3A_118 = arith.subf %broadcast_in_dim3A_116, %broadcast_in_dim3A_110 : vector<16xf32>
      %mul3A_119 = arith.mulf %sub3A_117, %sub3A_118 : vector<16xf32>
      %ge3A_120 = arith.cmpf oge, %broadcast_in_dim3A_107, %get3A_17 : vector<16xf32>
      %ge3A_121 = arith.cmpf oge, %broadcast_in_dim3A_110, %get3A_22 : vector<16xf32>
      %and3A_122 = arith.andi %ge3A_120, %ge3A_121 : vector<16xi1>
      %le3A_123 = arith.cmpf ole, %broadcast_in_dim3A_113, %get3A_27 : vector<16xf32>
      %le3A_124 = arith.cmpf ole, %broadcast_in_dim3A_116, %get3A_32 : vector<16xf32>
      %and3A_125 = arith.andi %le3A_123, %le3A_124 : vector<16xi1>
      %select_n3A_126 = arith.select %and3A_125, %mul3A_119, %broadcast_in_dim3A_33 : vector<16xi1>, vector<16xf32>
      %select_n3A_127 = arith.select %and3A_122, %select_n3A_126, %broadcast_in_dim3A_33 : vector<16xi1>, vector<16xf32>
      %add3A_128 = arith.addf %add3A_104, %select_n3A_127 : vector<16xf32>
      %slice3A_129 = vector.extract_strided_slice %get3A_63 {offsets = [2], sizes = [1], strides = [1]} : vector<16xf32> to vector<1xf32>
      %squeeze3A_130 = vector.extract %slice3A_129[0] : f32 from vector<1xf32>
      %broadcast_in_dim3A_131 = vector.broadcast %squeeze3A_130 : f32 to vector<16xf32>
      %slice3A_132 = vector.extract_strided_slice %get3A_70 {offsets = [2], sizes = [1], strides = [1]} : vector<16xf32> to vector<1xf32>
      %squeeze3A_133 = vector.extract %slice3A_132[0] : f32 from vector<1xf32>
      %broadcast_in_dim3A_134 = vector.broadcast %squeeze3A_133 : f32 to vector<16xf32>
      %slice3A_135 = vector.extract_strided_slice %get3A_77 {offsets = [2], sizes = [1], strides = [1]} : vector<16xf32> to vector<1xf32>
      %squeeze3A_136 = vector.extract %slice3A_135[0] : f32 from vector<1xf32>
      %broadcast_in_dim3A_137 = vector.broadcast %squeeze3A_136 : f32 to vector<16xf32>
      %slice3A_138 = vector.extract_strided_slice %get3A_84 {offsets = [2], sizes = [1], strides = [1]} : vector<16xf32> to vector<1xf32>
      %squeeze3A_139 = vector.extract %slice3A_138[0] : f32 from vector<1xf32>
      %broadcast_in_dim3A_140 = vector.broadcast %squeeze3A_139 : f32 to vector<16xf32>
      %sub3A_141 = arith.subf %broadcast_in_dim3A_137, %broadcast_in_dim3A_131 : vector<16xf32>
      %sub3A_142 = arith.subf %broadcast_in_dim3A_140, %broadcast_in_dim3A_134 : vector<16xf32>
      %mul3A_143 = arith.mulf %sub3A_141, %sub3A_142 : vector<16xf32>
      %ge3A_144 = arith.cmpf oge, %broadcast_in_dim3A_131, %get3A_17 : vector<16xf32>
      %ge3A_145 = arith.cmpf oge, %broadcast_in_dim3A_134, %get3A_22 : vector<16xf32>
      %and3A_146 = arith.andi %ge3A_144, %ge3A_145 : vector<16xi1>
      %le3A_147 = arith.cmpf ole, %broadcast_in_dim3A_137, %get3A_27 : vector<16xf32>
      %le3A_148 = arith.cmpf ole, %broadcast_in_dim3A_140, %get3A_32 : vector<16xf32>
      %and3A_149 = arith.andi %le3A_147, %le3A_148 : vector<16xi1>
      %select_n3A_150 = arith.select %and3A_149, %mul3A_143, %broadcast_in_dim3A_33 : vector<16xi1>, vector<16xf32>
      %select_n3A_151 = arith.select %and3A_146, %select_n3A_150, %broadcast_in_dim3A_33 : vector<16xi1>, vector<16xf32>
      %add3A_152 = arith.addf %add3A_128, %select_n3A_151 : vector<16xf32>
      %slice3A_153 = vector.extract_strided_slice %get3A_63 {offsets = [3], sizes = [1], strides = [1]} : vector<16xf32> to vector<1xf32>
      %squeeze3A_154 = vector.extract %slice3A_153[0] : f32 from vector<1xf32>
      %broadcast_in_dim3A_155 = vector.broadcast %squeeze3A_154 : f32 to vector<16xf32>
      %slice3A_156 = vector.extract_strided_slice %get3A_70 {offsets = [3], sizes = [1], strides = [1]} : vector<16xf32> to vector<1xf32>
      %squeeze3A_157 = vector.extract %slice3A_156[0] : f32 from vector<1xf32>
      %broadcast_in_dim3A_158 = vector.broadcast %squeeze3A_157 : f32 to vector<16xf32>
      %slice3A_159 = vector.extract_strided_slice %get3A_77 {offsets = [3], sizes = [1], strides = [1]} : vector<16xf32> to vector<1xf32>
      %squeeze3A_160 = vector.extract %slice3A_159[0] : f32 from vector<1xf32>
      %broadcast_in_dim3A_161 = vector.broadcast %squeeze3A_160 : f32 to vector<16xf32>
      %slice3A_162 = vector.extract_strided_slice %get3A_84 {offsets = [3], sizes = [1], strides = [1]} : vector<16xf32> to vector<1xf32>
      %squeeze3A_163 = vector.extract %slice3A_162[0] : f32 from vector<1xf32>
      %broadcast_in_dim3A_164 = vector.broadcast %squeeze3A_163 : f32 to vector<16xf32>
      %sub3A_165 = arith.subf %broadcast_in_dim3A_161, %broadcast_in_dim3A_155 : vector<16xf32>
      %sub3A_166 = arith.subf %broadcast_in_dim3A_164, %broadcast_in_dim3A_158 : vector<16xf32>
      %mul3A_167 = arith.mulf %sub3A_165, %sub3A_166 : vector<16xf32>
      %ge3A_168 = arith.cmpf oge, %broadcast_in_dim3A_155, %get3A_17 : vector<16xf32>
      %ge3A_169 = arith.cmpf oge, %broadcast_in_dim3A_158, %get3A_22 : vector<16xf32>
      %and3A_170 = arith.andi %ge3A_168, %ge3A_169 : vector<16xi1>
      %le3A_171 = arith.cmpf ole, %broadcast_in_dim3A_161, %get3A_27 : vector<16xf32>
      %le3A_172 = arith.cmpf ole, %broadcast_in_dim3A_164, %get3A_32 : vector<16xf32>
      %and3A_173 = arith.andi %le3A_171, %le3A_172 : vector<16xi1>
      %select_n3A_174 = arith.select %and3A_173, %mul3A_167, %broadcast_in_dim3A_33 : vector<16xi1>, vector<16xf32>
      %select_n3A_175 = arith.select %and3A_170, %select_n3A_174, %broadcast_in_dim3A_33 : vector<16xi1>, vector<16xf32>
      %add3A_176 = arith.addf %add3A_152, %select_n3A_175 : vector<16xf32>
      %slice3A_177 = vector.extract_strided_slice %get3A_63 {offsets = [4], sizes = [1], strides = [1]} : vector<16xf32> to vector<1xf32>
      %squeeze3A_178 = vector.extract %slice3A_177[0] : f32 from vector<1xf32>
      %broadcast_in_dim3A_179 = vector.broadcast %squeeze3A_178 : f32 to vector<16xf32>
      %slice3A_180 = vector.extract_strided_slice %get3A_70 {offsets = [4], sizes = [1], strides = [1]} : vector<16xf32> to vector<1xf32>
      %squeeze3A_181 = vector.extract %slice3A_180[0] : f32 from vector<1xf32>
      %broadcast_in_dim3A_182 = vector.broadcast %squeeze3A_181 : f32 to vector<16xf32>
      %slice3A_183 = vector.extract_strided_slice %get3A_77 {offsets = [4], sizes = [1], strides = [1]} : vector<16xf32> to vector<1xf32>
      %squeeze3A_184 = vector.extract %slice3A_183[0] : f32 from vector<1xf32>
      %broadcast_in_dim3A_185 = vector.broadcast %squeeze3A_184 : f32 to vector<16xf32>
      %slice3A_186 = vector.extract_strided_slice %get3A_84 {offsets = [4], sizes = [1], strides = [1]} : vector<16xf32> to vector<1xf32>
      %squeeze3A_187 = vector.extract %slice3A_186[0] : f32 from vector<1xf32>
      %broadcast_in_dim3A_188 = vector.broadcast %squeeze3A_187 : f32 to vector<16xf32>
      %sub3A_189 = arith.subf %broadcast_in_dim3A_185, %broadcast_in_dim3A_179 : vector<16xf32>
      %sub3A_190 = arith.subf %broadcast_in_dim3A_188, %broadcast_in_dim3A_182 : vector<16xf32>
      %mul3A_191 = arith.mulf %sub3A_189, %sub3A_190 : vector<16xf32>
      %ge3A_192 = arith.cmpf oge, %broadcast_in_dim3A_179, %get3A_17 : vector<16xf32>
      %ge3A_193 = arith.cmpf oge, %broadcast_in_dim3A_182, %get3A_22 : vector<16xf32>
      %and3A_194 = arith.andi %ge3A_192, %ge3A_193 : vector<16xi1>
      %le3A_195 = arith.cmpf ole, %broadcast_in_dim3A_185, %get3A_27 : vector<16xf32>
      %le3A_196 = arith.cmpf ole, %broadcast_in_dim3A_188, %get3A_32 : vector<16xf32>
      %and3A_197 = arith.andi %le3A_195, %le3A_196 : vector<16xi1>
      %select_n3A_198 = arith.select %and3A_197, %mul3A_191, %broadcast_in_dim3A_33 : vector<16xi1>, vector<16xf32>
      %select_n3A_199 = arith.select %and3A_194, %select_n3A_198, %broadcast_in_dim3A_33 : vector<16xi1>, vector<16xf32>
      %add3A_200 = arith.addf %add3A_176, %select_n3A_199 : vector<16xf32>
      %slice3A_201 = vector.extract_strided_slice %get3A_63 {offsets = [5], sizes = [1], strides = [1]} : vector<16xf32> to vector<1xf32>
      %squeeze3A_202 = vector.extract %slice3A_201[0] : f32 from vector<1xf32>
      %broadcast_in_dim3A_203 = vector.broadcast %squeeze3A_202 : f32 to vector<16xf32>
      %slice3A_204 = vector.extract_strided_slice %get3A_70 {offsets = [5], sizes = [1], strides = [1]} : vector<16xf32> to vector<1xf32>
      %squeeze3A_205 = vector.extract %slice3A_204[0] : f32 from vector<1xf32>
      %broadcast_in_dim3A_206 = vector.broadcast %squeeze3A_205 : f32 to vector<16xf32>
      %slice3A_207 = vector.extract_strided_slice %get3A_77 {offsets = [5], sizes = [1], strides = [1]} : vector<16xf32> to vector<1xf32>
      %squeeze3A_208 = vector.extract %slice3A_207[0] : f32 from vector<1xf32>
      %broadcast_in_dim3A_209 = vector.broadcast %squeeze3A_208 : f32 to vector<16xf32>
      %slice3A_210 = vector.extract_strided_slice %get3A_84 {offsets = [5], sizes = [1], strides = [1]} : vector<16xf32> to vector<1xf32>
      %squeeze3A_211 = vector.extract %slice3A_210[0] : f32 from vector<1xf32>
      %broadcast_in_dim3A_212 = vector.broadcast %squeeze3A_211 : f32 to vector<16xf32>
      %sub3A_213 = arith.subf %broadcast_in_dim3A_209, %broadcast_in_dim3A_203 : vector<16xf32>
      %sub3A_214 = arith.subf %broadcast_in_dim3A_212, %broadcast_in_dim3A_206 : vector<16xf32>
      %mul3A_215 = arith.mulf %sub3A_213, %sub3A_214 : vector<16xf32>
      %ge3A_216 = arith.cmpf oge, %broadcast_in_dim3A_203, %get3A_17 : vector<16xf32>
      %ge3A_217 = arith.cmpf oge, %broadcast_in_dim3A_206, %get3A_22 : vector<16xf32>
      %and3A_218 = arith.andi %ge3A_216, %ge3A_217 : vector<16xi1>
      %le3A_219 = arith.cmpf ole, %broadcast_in_dim3A_209, %get3A_27 : vector<16xf32>
      %le3A_220 = arith.cmpf ole, %broadcast_in_dim3A_212, %get3A_32 : vector<16xf32>
      %and3A_221 = arith.andi %le3A_219, %le3A_220 : vector<16xi1>
      %select_n3A_222 = arith.select %and3A_221, %mul3A_215, %broadcast_in_dim3A_33 : vector<16xi1>, vector<16xf32>
      %select_n3A_223 = arith.select %and3A_218, %select_n3A_222, %broadcast_in_dim3A_33 : vector<16xi1>, vector<16xf32>
      %add3A_224 = arith.addf %add3A_200, %select_n3A_223 : vector<16xf32>
      %slice3A_225 = vector.extract_strided_slice %get3A_63 {offsets = [6], sizes = [1], strides = [1]} : vector<16xf32> to vector<1xf32>
      %squeeze3A_226 = vector.extract %slice3A_225[0] : f32 from vector<1xf32>
      %broadcast_in_dim3A_227 = vector.broadcast %squeeze3A_226 : f32 to vector<16xf32>
      %slice3A_228 = vector.extract_strided_slice %get3A_70 {offsets = [6], sizes = [1], strides = [1]} : vector<16xf32> to vector<1xf32>
      %squeeze3A_229 = vector.extract %slice3A_228[0] : f32 from vector<1xf32>
      %broadcast_in_dim3A_230 = vector.broadcast %squeeze3A_229 : f32 to vector<16xf32>
      %slice3A_231 = vector.extract_strided_slice %get3A_77 {offsets = [6], sizes = [1], strides = [1]} : vector<16xf32> to vector<1xf32>
      %squeeze3A_232 = vector.extract %slice3A_231[0] : f32 from vector<1xf32>
      %broadcast_in_dim3A_233 = vector.broadcast %squeeze3A_232 : f32 to vector<16xf32>
      %slice3A_234 = vector.extract_strided_slice %get3A_84 {offsets = [6], sizes = [1], strides = [1]} : vector<16xf32> to vector<1xf32>
      %squeeze3A_235 = vector.extract %slice3A_234[0] : f32 from vector<1xf32>
      %broadcast_in_dim3A_236 = vector.broadcast %squeeze3A_235 : f32 to vector<16xf32>
      %sub3A_237 = arith.subf %broadcast_in_dim3A_233, %broadcast_in_dim3A_227 : vector<16xf32>
      %sub3A_238 = arith.subf %broadcast_in_dim3A_236, %broadcast_in_dim3A_230 : vector<16xf32>
      %mul3A_239 = arith.mulf %sub3A_237, %sub3A_238 : vector<16xf32>
      %ge3A_240 = arith.cmpf oge, %broadcast_in_dim3A_227, %get3A_17 : vector<16xf32>
      %ge3A_241 = arith.cmpf oge, %broadcast_in_dim3A_230, %get3A_22 : vector<16xf32>
      %and3A_242 = arith.andi %ge3A_240, %ge3A_241 : vector<16xi1>
      %le3A_243 = arith.cmpf ole, %broadcast_in_dim3A_233, %get3A_27 : vector<16xf32>
      %le3A_244 = arith.cmpf ole, %broadcast_in_dim3A_236, %get3A_32 : vector<16xf32>
      %and3A_245 = arith.andi %le3A_243, %le3A_244 : vector<16xi1>
      %select_n3A_246 = arith.select %and3A_245, %mul3A_239, %broadcast_in_dim3A_33 : vector<16xi1>, vector<16xf32>
      %select_n3A_247 = arith.select %and3A_242, %select_n3A_246, %broadcast_in_dim3A_33 : vector<16xi1>, vector<16xf32>
      %add3A_248 = arith.addf %add3A_224, %select_n3A_247 : vector<16xf32>
      %slice3A_249 = vector.extract_strided_slice %get3A_63 {offsets = [7], sizes = [1], strides = [1]} : vector<16xf32> to vector<1xf32>
      %squeeze3A_250 = vector.extract %slice3A_249[0] : f32 from vector<1xf32>
      %broadcast_in_dim3A_251 = vector.broadcast %squeeze3A_250 : f32 to vector<16xf32>
      %slice3A_252 = vector.extract_strided_slice %get3A_70 {offsets = [7], sizes = [1], strides = [1]} : vector<16xf32> to vector<1xf32>
      %squeeze3A_253 = vector.extract %slice3A_252[0] : f32 from vector<1xf32>
      %broadcast_in_dim3A_254 = vector.broadcast %squeeze3A_253 : f32 to vector<16xf32>
      %slice3A_255 = vector.extract_strided_slice %get3A_77 {offsets = [7], sizes = [1], strides = [1]} : vector<16xf32> to vector<1xf32>
      %squeeze3A_256 = vector.extract %slice3A_255[0] : f32 from vector<1xf32>
      %broadcast_in_dim3A_257 = vector.broadcast %squeeze3A_256 : f32 to vector<16xf32>
      %slice3A_258 = vector.extract_strided_slice %get3A_84 {offsets = [7], sizes = [1], strides = [1]} : vector<16xf32> to vector<1xf32>
      %squeeze3A_259 = vector.extract %slice3A_258[0] : f32 from vector<1xf32>
      %broadcast_in_dim3A_260 = vector.broadcast %squeeze3A_259 : f32 to vector<16xf32>
      %sub3A_261 = arith.subf %broadcast_in_dim3A_257, %broadcast_in_dim3A_251 : vector<16xf32>
      %sub3A_262 = arith.subf %broadcast_in_dim3A_260, %broadcast_in_dim3A_254 : vector<16xf32>
      %mul3A_263 = arith.mulf %sub3A_261, %sub3A_262 : vector<16xf32>
      %ge3A_264 = arith.cmpf oge, %broadcast_in_dim3A_251, %get3A_17 : vector<16xf32>
      %ge3A_265 = arith.cmpf oge, %broadcast_in_dim3A_254, %get3A_22 : vector<16xf32>
      %and3A_266 = arith.andi %ge3A_264, %ge3A_265 : vector<16xi1>
      %le3A_267 = arith.cmpf ole, %broadcast_in_dim3A_257, %get3A_27 : vector<16xf32>
      %le3A_268 = arith.cmpf ole, %broadcast_in_dim3A_260, %get3A_32 : vector<16xf32>
      %and3A_269 = arith.andi %le3A_267, %le3A_268 : vector<16xi1>
      %select_n3A_270 = arith.select %and3A_269, %mul3A_263, %broadcast_in_dim3A_33 : vector<16xi1>, vector<16xf32>
      %select_n3A_271 = arith.select %and3A_266, %select_n3A_270, %broadcast_in_dim3A_33 : vector<16xi1>, vector<16xf32>
      %add3A_272 = arith.addf %add3A_248, %select_n3A_271 : vector<16xf32>
      %slice3A_273 = vector.extract_strided_slice %get3A_63 {offsets = [8], sizes = [1], strides = [1]} : vector<16xf32> to vector<1xf32>
      %squeeze3A_274 = vector.extract %slice3A_273[0] : f32 from vector<1xf32>
      %broadcast_in_dim3A_275 = vector.broadcast %squeeze3A_274 : f32 to vector<16xf32>
      %slice3A_276 = vector.extract_strided_slice %get3A_70 {offsets = [8], sizes = [1], strides = [1]} : vector<16xf32> to vector<1xf32>
      %squeeze3A_277 = vector.extract %slice3A_276[0] : f32 from vector<1xf32>
      %broadcast_in_dim3A_278 = vector.broadcast %squeeze3A_277 : f32 to vector<16xf32>
      %slice3A_279 = vector.extract_strided_slice %get3A_77 {offsets = [8], sizes = [1], strides = [1]} : vector<16xf32> to vector<1xf32>
      %squeeze3A_280 = vector.extract %slice3A_279[0] : f32 from vector<1xf32>
      %broadcast_in_dim3A_281 = vector.broadcast %squeeze3A_280 : f32 to vector<16xf32>
      %slice3A_282 = vector.extract_strided_slice %get3A_84 {offsets = [8], sizes = [1], strides = [1]} : vector<16xf32> to vector<1xf32>
      %squeeze3A_283 = vector.extract %slice3A_282[0] : f32 from vector<1xf32>
      %broadcast_in_dim3A_284 = vector.broadcast %squeeze3A_283 : f32 to vector<16xf32>
      %sub3A_285 = arith.subf %broadcast_in_dim3A_281, %broadcast_in_dim3A_275 : vector<16xf32>
      %sub3A_286 = arith.subf %broadcast_in_dim3A_284, %broadcast_in_dim3A_278 : vector<16xf32>
      %mul3A_287 = arith.mulf %sub3A_285, %sub3A_286 : vector<16xf32>
      %ge3A_288 = arith.cmpf oge, %broadcast_in_dim3A_275, %get3A_17 : vector<16xf32>
      %ge3A_289 = arith.cmpf oge, %broadcast_in_dim3A_278, %get3A_22 : vector<16xf32>
      %and3A_290 = arith.andi %ge3A_288, %ge3A_289 : vector<16xi1>
      %le3A_291 = arith.cmpf ole, %broadcast_in_dim3A_281, %get3A_27 : vector<16xf32>
      %le3A_292 = arith.cmpf ole, %broadcast_in_dim3A_284, %get3A_32 : vector<16xf32>
      %and3A_293 = arith.andi %le3A_291, %le3A_292 : vector<16xi1>
      %select_n3A_294 = arith.select %and3A_293, %mul3A_287, %broadcast_in_dim3A_33 : vector<16xi1>, vector<16xf32>
      %select_n3A_295 = arith.select %and3A_290, %select_n3A_294, %broadcast_in_dim3A_33 : vector<16xi1>, vector<16xf32>
      %add3A_296 = arith.addf %add3A_272, %select_n3A_295 : vector<16xf32>
      %slice3A_297 = vector.extract_strided_slice %get3A_63 {offsets = [9], sizes = [1], strides = [1]} : vector<16xf32> to vector<1xf32>
      %squeeze3A_298 = vector.extract %slice3A_297[0] : f32 from vector<1xf32>
      %broadcast_in_dim3A_299 = vector.broadcast %squeeze3A_298 : f32 to vector<16xf32>
      %slice3A_300 = vector.extract_strided_slice %get3A_70 {offsets = [9], sizes = [1], strides = [1]} : vector<16xf32> to vector<1xf32>
      %squeeze3A_301 = vector.extract %slice3A_300[0] : f32 from vector<1xf32>
      %broadcast_in_dim3A_302 = vector.broadcast %squeeze3A_301 : f32 to vector<16xf32>
      %slice3A_303 = vector.extract_strided_slice %get3A_77 {offsets = [9], sizes = [1], strides = [1]} : vector<16xf32> to vector<1xf32>
      %squeeze3A_304 = vector.extract %slice3A_303[0] : f32 from vector<1xf32>
      %broadcast_in_dim3A_305 = vector.broadcast %squeeze3A_304 : f32 to vector<16xf32>
      %slice3A_306 = vector.extract_strided_slice %get3A_84 {offsets = [9], sizes = [1], strides = [1]} : vector<16xf32> to vector<1xf32>
      %squeeze3A_307 = vector.extract %slice3A_306[0] : f32 from vector<1xf32>
      %broadcast_in_dim3A_308 = vector.broadcast %squeeze3A_307 : f32 to vector<16xf32>
      %sub3A_309 = arith.subf %broadcast_in_dim3A_305, %broadcast_in_dim3A_299 : vector<16xf32>
      %sub3A_310 = arith.subf %broadcast_in_dim3A_308, %broadcast_in_dim3A_302 : vector<16xf32>
      %mul3A_311 = arith.mulf %sub3A_309, %sub3A_310 : vector<16xf32>
      %ge3A_312 = arith.cmpf oge, %broadcast_in_dim3A_299, %get3A_17 : vector<16xf32>
      %ge3A_313 = arith.cmpf oge, %broadcast_in_dim3A_302, %get3A_22 : vector<16xf32>
      %and3A_314 = arith.andi %ge3A_312, %ge3A_313 : vector<16xi1>
      %le3A_315 = arith.cmpf ole, %broadcast_in_dim3A_305, %get3A_27 : vector<16xf32>
      %le3A_316 = arith.cmpf ole, %broadcast_in_dim3A_308, %get3A_32 : vector<16xf32>
      %and3A_317 = arith.andi %le3A_315, %le3A_316 : vector<16xi1>
      %select_n3A_318 = arith.select %and3A_317, %mul3A_311, %broadcast_in_dim3A_33 : vector<16xi1>, vector<16xf32>
      %select_n3A_319 = arith.select %and3A_314, %select_n3A_318, %broadcast_in_dim3A_33 : vector<16xi1>, vector<16xf32>
      %add3A_320 = arith.addf %add3A_296, %select_n3A_319 : vector<16xf32>
      %slice3A_321 = vector.extract_strided_slice %get3A_63 {offsets = [10], sizes = [1], strides = [1]} : vector<16xf32> to vector<1xf32>
      %squeeze3A_322 = vector.extract %slice3A_321[0] : f32 from vector<1xf32>
      %broadcast_in_dim3A_323 = vector.broadcast %squeeze3A_322 : f32 to vector<16xf32>
      %slice3A_324 = vector.extract_strided_slice %get3A_70 {offsets = [10], sizes = [1], strides = [1]} : vector<16xf32> to vector<1xf32>
      %squeeze3A_325 = vector.extract %slice3A_324[0] : f32 from vector<1xf32>
      %broadcast_in_dim3A_326 = vector.broadcast %squeeze3A_325 : f32 to vector<16xf32>
      %slice3A_327 = vector.extract_strided_slice %get3A_77 {offsets = [10], sizes = [1], strides = [1]} : vector<16xf32> to vector<1xf32>
      %squeeze3A_328 = vector.extract %slice3A_327[0] : f32 from vector<1xf32>
      %broadcast_in_dim3A_329 = vector.broadcast %squeeze3A_328 : f32 to vector<16xf32>
      %slice3A_330 = vector.extract_strided_slice %get3A_84 {offsets = [10], sizes = [1], strides = [1]} : vector<16xf32> to vector<1xf32>
      %squeeze3A_331 = vector.extract %slice3A_330[0] : f32 from vector<1xf32>
      %broadcast_in_dim3A_332 = vector.broadcast %squeeze3A_331 : f32 to vector<16xf32>
      %sub3A_333 = arith.subf %broadcast_in_dim3A_329, %broadcast_in_dim3A_323 : vector<16xf32>
      %sub3A_334 = arith.subf %broadcast_in_dim3A_332, %broadcast_in_dim3A_326 : vector<16xf32>
      %mul3A_335 = arith.mulf %sub3A_333, %sub3A_334 : vector<16xf32>
      %ge3A_336 = arith.cmpf oge, %broadcast_in_dim3A_323, %get3A_17 : vector<16xf32>
      %ge3A_337 = arith.cmpf oge, %broadcast_in_dim3A_326, %get3A_22 : vector<16xf32>
      %and3A_338 = arith.andi %ge3A_336, %ge3A_337 : vector<16xi1>
      %le3A_339 = arith.cmpf ole, %broadcast_in_dim3A_329, %get3A_27 : vector<16xf32>
      %le3A_340 = arith.cmpf ole, %broadcast_in_dim3A_332, %get3A_32 : vector<16xf32>
      %and3A_341 = arith.andi %le3A_339, %le3A_340 : vector<16xi1>
      %select_n3A_342 = arith.select %and3A_341, %mul3A_335, %broadcast_in_dim3A_33 : vector<16xi1>, vector<16xf32>
      %select_n3A_343 = arith.select %and3A_338, %select_n3A_342, %broadcast_in_dim3A_33 : vector<16xi1>, vector<16xf32>
      %add3A_344 = arith.addf %add3A_320, %select_n3A_343 : vector<16xf32>
      %slice3A_345 = vector.extract_strided_slice %get3A_63 {offsets = [11], sizes = [1], strides = [1]} : vector<16xf32> to vector<1xf32>
      %squeeze3A_346 = vector.extract %slice3A_345[0] : f32 from vector<1xf32>
      %broadcast_in_dim3A_347 = vector.broadcast %squeeze3A_346 : f32 to vector<16xf32>
      %slice3A_348 = vector.extract_strided_slice %get3A_70 {offsets = [11], sizes = [1], strides = [1]} : vector<16xf32> to vector<1xf32>
      %squeeze3A_349 = vector.extract %slice3A_348[0] : f32 from vector<1xf32>
      %broadcast_in_dim3A_350 = vector.broadcast %squeeze3A_349 : f32 to vector<16xf32>
      %slice3A_351 = vector.extract_strided_slice %get3A_77 {offsets = [11], sizes = [1], strides = [1]} : vector<16xf32> to vector<1xf32>
      %squeeze3A_352 = vector.extract %slice3A_351[0] : f32 from vector<1xf32>
      %broadcast_in_dim3A_353 = vector.broadcast %squeeze3A_352 : f32 to vector<16xf32>
      %slice3A_354 = vector.extract_strided_slice %get3A_84 {offsets = [11], sizes = [1], strides = [1]} : vector<16xf32> to vector<1xf32>
      %squeeze3A_355 = vector.extract %slice3A_354[0] : f32 from vector<1xf32>
      %broadcast_in_dim3A_356 = vector.broadcast %squeeze3A_355 : f32 to vector<16xf32>
      %sub3A_357 = arith.subf %broadcast_in_dim3A_353, %broadcast_in_dim3A_347 : vector<16xf32>
      %sub3A_358 = arith.subf %broadcast_in_dim3A_356, %broadcast_in_dim3A_350 : vector<16xf32>
      %mul3A_359 = arith.mulf %sub3A_357, %sub3A_358 : vector<16xf32>
      %ge3A_360 = arith.cmpf oge, %broadcast_in_dim3A_347, %get3A_17 : vector<16xf32>
      %ge3A_361 = arith.cmpf oge, %broadcast_in_dim3A_350, %get3A_22 : vector<16xf32>
      %and3A_362 = arith.andi %ge3A_360, %ge3A_361 : vector<16xi1>
      %le3A_363 = arith.cmpf ole, %broadcast_in_dim3A_353, %get3A_27 : vector<16xf32>
      %le3A_364 = arith.cmpf ole, %broadcast_in_dim3A_356, %get3A_32 : vector<16xf32>
      %and3A_365 = arith.andi %le3A_363, %le3A_364 : vector<16xi1>
      %select_n3A_366 = arith.select %and3A_365, %mul3A_359, %broadcast_in_dim3A_33 : vector<16xi1>, vector<16xf32>
      %select_n3A_367 = arith.select %and3A_362, %select_n3A_366, %broadcast_in_dim3A_33 : vector<16xi1>, vector<16xf32>
      %add3A_368 = arith.addf %add3A_344, %select_n3A_367 : vector<16xf32>
      %slice3A_369 = vector.extract_strided_slice %get3A_63 {offsets = [12], sizes = [1], strides = [1]} : vector<16xf32> to vector<1xf32>
      %squeeze3A_370 = vector.extract %slice3A_369[0] : f32 from vector<1xf32>
      %broadcast_in_dim3A_371 = vector.broadcast %squeeze3A_370 : f32 to vector<16xf32>
      %slice3A_372 = vector.extract_strided_slice %get3A_70 {offsets = [12], sizes = [1], strides = [1]} : vector<16xf32> to vector<1xf32>
      %squeeze3A_373 = vector.extract %slice3A_372[0] : f32 from vector<1xf32>
      %broadcast_in_dim3A_374 = vector.broadcast %squeeze3A_373 : f32 to vector<16xf32>
      %slice3A_375 = vector.extract_strided_slice %get3A_77 {offsets = [12], sizes = [1], strides = [1]} : vector<16xf32> to vector<1xf32>
      %squeeze3A_376 = vector.extract %slice3A_375[0] : f32 from vector<1xf32>
      %broadcast_in_dim3A_377 = vector.broadcast %squeeze3A_376 : f32 to vector<16xf32>
      %slice3A_378 = vector.extract_strided_slice %get3A_84 {offsets = [12], sizes = [1], strides = [1]} : vector<16xf32> to vector<1xf32>
      %squeeze3A_379 = vector.extract %slice3A_378[0] : f32 from vector<1xf32>
      %broadcast_in_dim3A_380 = vector.broadcast %squeeze3A_379 : f32 to vector<16xf32>
      %sub3A_381 = arith.subf %broadcast_in_dim3A_377, %broadcast_in_dim3A_371 : vector<16xf32>
      %sub3A_382 = arith.subf %broadcast_in_dim3A_380, %broadcast_in_dim3A_374 : vector<16xf32>
      %mul3A_383 = arith.mulf %sub3A_381, %sub3A_382 : vector<16xf32>
      %ge3A_384 = arith.cmpf oge, %broadcast_in_dim3A_371, %get3A_17 : vector<16xf32>
      %ge3A_385 = arith.cmpf oge, %broadcast_in_dim3A_374, %get3A_22 : vector<16xf32>
      %and3A_386 = arith.andi %ge3A_384, %ge3A_385 : vector<16xi1>
      %le3A_387 = arith.cmpf ole, %broadcast_in_dim3A_377, %get3A_27 : vector<16xf32>
      %le3A_388 = arith.cmpf ole, %broadcast_in_dim3A_380, %get3A_32 : vector<16xf32>
      %and3A_389 = arith.andi %le3A_387, %le3A_388 : vector<16xi1>
      %select_n3A_390 = arith.select %and3A_389, %mul3A_383, %broadcast_in_dim3A_33 : vector<16xi1>, vector<16xf32>
      %select_n3A_391 = arith.select %and3A_386, %select_n3A_390, %broadcast_in_dim3A_33 : vector<16xi1>, vector<16xf32>
      %add3A_392 = arith.addf %add3A_368, %select_n3A_391 : vector<16xf32>
      %slice3A_393 = vector.extract_strided_slice %get3A_63 {offsets = [13], sizes = [1], strides = [1]} : vector<16xf32> to vector<1xf32>
      %squeeze3A_394 = vector.extract %slice3A_393[0] : f32 from vector<1xf32>
      %broadcast_in_dim3A_395 = vector.broadcast %squeeze3A_394 : f32 to vector<16xf32>
      %slice3A_396 = vector.extract_strided_slice %get3A_70 {offsets = [13], sizes = [1], strides = [1]} : vector<16xf32> to vector<1xf32>
      %squeeze3A_397 = vector.extract %slice3A_396[0] : f32 from vector<1xf32>
      %broadcast_in_dim3A_398 = vector.broadcast %squeeze3A_397 : f32 to vector<16xf32>
      %slice3A_399 = vector.extract_strided_slice %get3A_77 {offsets = [13], sizes = [1], strides = [1]} : vector<16xf32> to vector<1xf32>
      %squeeze3A_400 = vector.extract %slice3A_399[0] : f32 from vector<1xf32>
      %broadcast_in_dim3A_401 = vector.broadcast %squeeze3A_400 : f32 to vector<16xf32>
      %slice3A_402 = vector.extract_strided_slice %get3A_84 {offsets = [13], sizes = [1], strides = [1]} : vector<16xf32> to vector<1xf32>
      %squeeze3A_403 = vector.extract %slice3A_402[0] : f32 from vector<1xf32>
      %broadcast_in_dim3A_404 = vector.broadcast %squeeze3A_403 : f32 to vector<16xf32>
      %sub3A_405 = arith.subf %broadcast_in_dim3A_401, %broadcast_in_dim3A_395 : vector<16xf32>
      %sub3A_406 = arith.subf %broadcast_in_dim3A_404, %broadcast_in_dim3A_398 : vector<16xf32>
      %mul3A_407 = arith.mulf %sub3A_405, %sub3A_406 : vector<16xf32>
      %ge3A_408 = arith.cmpf oge, %broadcast_in_dim3A_395, %get3A_17 : vector<16xf32>
      %ge3A_409 = arith.cmpf oge, %broadcast_in_dim3A_398, %get3A_22 : vector<16xf32>
      %and3A_410 = arith.andi %ge3A_408, %ge3A_409 : vector<16xi1>
      %le3A_411 = arith.cmpf ole, %broadcast_in_dim3A_401, %get3A_27 : vector<16xf32>
      %le3A_412 = arith.cmpf ole, %broadcast_in_dim3A_404, %get3A_32 : vector<16xf32>
      %and3A_413 = arith.andi %le3A_411, %le3A_412 : vector<16xi1>
      %select_n3A_414 = arith.select %and3A_413, %mul3A_407, %broadcast_in_dim3A_33 : vector<16xi1>, vector<16xf32>
      %select_n3A_415 = arith.select %and3A_410, %select_n3A_414, %broadcast_in_dim3A_33 : vector<16xi1>, vector<16xf32>
      %add3A_416 = arith.addf %add3A_392, %select_n3A_415 : vector<16xf32>
      %slice3A_417 = vector.extract_strided_slice %get3A_63 {offsets = [14], sizes = [1], strides = [1]} : vector<16xf32> to vector<1xf32>
      %squeeze3A_418 = vector.extract %slice3A_417[0] : f32 from vector<1xf32>
      %broadcast_in_dim3A_419 = vector.broadcast %squeeze3A_418 : f32 to vector<16xf32>
      %slice3A_420 = vector.extract_strided_slice %get3A_70 {offsets = [14], sizes = [1], strides = [1]} : vector<16xf32> to vector<1xf32>
      %squeeze3A_421 = vector.extract %slice3A_420[0] : f32 from vector<1xf32>
      %broadcast_in_dim3A_422 = vector.broadcast %squeeze3A_421 : f32 to vector<16xf32>
      %slice3A_423 = vector.extract_strided_slice %get3A_77 {offsets = [14], sizes = [1], strides = [1]} : vector<16xf32> to vector<1xf32>
      %squeeze3A_424 = vector.extract %slice3A_423[0] : f32 from vector<1xf32>
      %broadcast_in_dim3A_425 = vector.broadcast %squeeze3A_424 : f32 to vector<16xf32>
      %slice3A_426 = vector.extract_strided_slice %get3A_84 {offsets = [14], sizes = [1], strides = [1]} : vector<16xf32> to vector<1xf32>
      %squeeze3A_427 = vector.extract %slice3A_426[0] : f32 from vector<1xf32>
      %broadcast_in_dim3A_428 = vector.broadcast %squeeze3A_427 : f32 to vector<16xf32>
      %sub3A_429 = arith.subf %broadcast_in_dim3A_425, %broadcast_in_dim3A_419 : vector<16xf32>
      %sub3A_430 = arith.subf %broadcast_in_dim3A_428, %broadcast_in_dim3A_422 : vector<16xf32>
      %mul3A_431 = arith.mulf %sub3A_429, %sub3A_430 : vector<16xf32>
      %ge3A_432 = arith.cmpf oge, %broadcast_in_dim3A_419, %get3A_17 : vector<16xf32>
      %ge3A_433 = arith.cmpf oge, %broadcast_in_dim3A_422, %get3A_22 : vector<16xf32>
      %and3A_434 = arith.andi %ge3A_432, %ge3A_433 : vector<16xi1>
      %le3A_435 = arith.cmpf ole, %broadcast_in_dim3A_425, %get3A_27 : vector<16xf32>
      %le3A_436 = arith.cmpf ole, %broadcast_in_dim3A_428, %get3A_32 : vector<16xf32>
      %and3A_437 = arith.andi %le3A_435, %le3A_436 : vector<16xi1>
      %select_n3A_438 = arith.select %and3A_437, %mul3A_431, %broadcast_in_dim3A_33 : vector<16xi1>, vector<16xf32>
      %select_n3A_439 = arith.select %and3A_434, %select_n3A_438, %broadcast_in_dim3A_33 : vector<16xi1>, vector<16xf32>
      %add3A_440 = arith.addf %add3A_416, %select_n3A_439 : vector<16xf32>
      %slice3A_441 = vector.extract_strided_slice %get3A_63 {offsets = [15], sizes = [1], strides = [1]} : vector<16xf32> to vector<1xf32>
      %squeeze3A_442 = vector.extract %slice3A_441[0] : f32 from vector<1xf32>
      %broadcast_in_dim3A_443 = vector.broadcast %squeeze3A_442 : f32 to vector<16xf32>
      %slice3A_444 = vector.extract_strided_slice %get3A_70 {offsets = [15], sizes = [1], strides = [1]} : vector<16xf32> to vector<1xf32>
      %squeeze3A_445 = vector.extract %slice3A_444[0] : f32 from vector<1xf32>
      %broadcast_in_dim3A_446 = vector.broadcast %squeeze3A_445 : f32 to vector<16xf32>
      %slice3A_447 = vector.extract_strided_slice %get3A_77 {offsets = [15], sizes = [1], strides = [1]} : vector<16xf32> to vector<1xf32>
      %squeeze3A_448 = vector.extract %slice3A_447[0] : f32 from vector<1xf32>
      %broadcast_in_dim3A_449 = vector.broadcast %squeeze3A_448 : f32 to vector<16xf32>
      %slice3A_450 = vector.extract_strided_slice %get3A_84 {offsets = [15], sizes = [1], strides = [1]} : vector<16xf32> to vector<1xf32>
      %squeeze3A_451 = vector.extract %slice3A_450[0] : f32 from vector<1xf32>
      %broadcast_in_dim3A_452 = vector.broadcast %squeeze3A_451 : f32 to vector<16xf32>
      %sub3A_453 = arith.subf %broadcast_in_dim3A_449, %broadcast_in_dim3A_443 : vector<16xf32>
      %sub3A_454 = arith.subf %broadcast_in_dim3A_452, %broadcast_in_dim3A_446 : vector<16xf32>
      %mul3A_455 = arith.mulf %sub3A_453, %sub3A_454 : vector<16xf32>
      %ge3A_456 = arith.cmpf oge, %broadcast_in_dim3A_443, %get3A_17 : vector<16xf32>
      %ge3A_457 = arith.cmpf oge, %broadcast_in_dim3A_446, %get3A_22 : vector<16xf32>
      %and3A_458 = arith.andi %ge3A_456, %ge3A_457 : vector<16xi1>
      %le3A_459 = arith.cmpf ole, %broadcast_in_dim3A_449, %get3A_27 : vector<16xf32>
      %le3A_460 = arith.cmpf ole, %broadcast_in_dim3A_452, %get3A_32 : vector<16xf32>
      %and3A_461 = arith.andi %le3A_459, %le3A_460 : vector<16xi1>
      %select_n3A_462 = arith.select %and3A_461, %mul3A_455, %broadcast_in_dim3A_33 : vector<16xi1>, vector<16xf32>
      %select_n3A_463 = arith.select %and3A_458, %select_n3A_462, %broadcast_in_dim3A_33 : vector<16xi1>, vector<16xf32>
      %add3A_464 = arith.addf %add3A_440, %select_n3A_463 : vector<16xf32>
      scf.yield %add3A_464 : vector<16xf32>
    }
    %scan3A_38 = arith.constant 320 : i32
    %sub3A = arith.subf %get3A_27, %get3A_17 : vector<16xf32>
    %sub3A_39 = arith.subf %get3A_32, %get3A_22 : vector<16xf32>
    %mul3A_40 = arith.mulf %sub3A, %sub3A_39 : vector<16xf32>
    %sub3A_41 = arith.subf %scan3A_37, %mul3A_40 : vector<16xf32>
    %add3A_42 = arith.constant 9.99999971E-10 : f32
    %add3A_43 = vector.broadcast %add3A_42 : f32 to vector<16xf32>
    %add3A_44 = arith.addf %mul3A_40, %add3A_43 : vector<16xf32>
    %mul3A_45 = arith.constant 8.000000e-01 : f32
    %mul3A_46 = vector.broadcast %mul3A_45 : f32 to vector<16xf32>
    %mul3A_47 = arith.mulf %mul3A_46, %add3A_44 : vector<16xf32>
    %le3A = arith.cmpf ole, %sub3A_41, %mul3A_47 : vector<16xf32>
    %broadcast_in_dim3A_48 = arith.constant 1.000000e+00 : f32
    %broadcast_in_dim3A_49 = vector.broadcast %broadcast_in_dim3A_48 : f32 to vector<16xf32>
    %select_n3A = arith.select %le3A, %broadcast_in_dim3A_49, %broadcast_in_dim3A_33 : vector<16xi1>, vector<16xf32>
    %swap3A = arith.constant 0 : index
    %swap3A_50 = tpu.vector_load %arg7[%swap3A] {strides = array<i32>} : memref<16xf32, #tpu.memory_space<vmem>>, vector<16xf32>,
    %swap3A_51 = vector.shape_cast %swap3A_50 : vector<16xf32> to vector<16xf32>
    %swap3A_52 = vector.shape_cast %select_n3A : vector<16xf32> to vector<16xf32>
    tpu.vector_store %arg7[%swap3A], %swap3A_52 {strides = array<i32>} : memref<16xf32, #tpu.memory_space<vmem>>, vector<16xf32>,
    %mul3A_53 = arith.constant 16 : i32
    %mul3A_54 = arith.muli %add3A, %mul3A_53 : i32
    "tpu.region"() ({
      %run_scoped3A_55 = tpu.sem_alloc : memref<!tpu.dma_semaphore, #tpu.memory_space<semaphore_mem>>
      %dma_start3A = tpu.memref_slice %arg4[%mul3A_54] : memref<512xf32, #tpu.memory_space<hbm>> -> memref<16xf32, #tpu.memory_space<hbm>>
      %dma_start3A_56 = tpu.memref_slice %arg4[%mul3A_54] : memref<512xf32, #tpu.memory_space<hbm>> -> memref<16xf32, #tpu.memory_space<hbm>>
      tpu.enqueue_dma source(%arg7 : memref<16xf32, #tpu.memory_space<vmem>>) target(%dma_start3A_56 : memref<16xf32, #tpu.memory_space<hbm>>) target_semaphore(%run_scoped3A_55 : memref<!tpu.dma_semaphore, #tpu.memory_space<semaphore_mem>>)
      %dma_wait3A = tpu.memref_slice %arg4[%mul3A_54] : memref<512xf32, #tpu.memory_space<hbm>> -> memref<16xf32, #tpu.memory_space<hbm>>
      %dma_wait3A_57 = tpu.memref_slice %arg4[%mul3A_54] : memref<512xf32, #tpu.memory_space<hbm>> -> memref<16xf32, #tpu.memory_space<hbm>>
      tpu.wait_dma2 semaphore(%run_scoped3A_55 : memref<!tpu.dma_semaphore, #tpu.memory_space<semaphore_mem>>) src(%arg7 : memref<16xf32, #tpu.memory_space<vmem>>) dst(%dma_wait3A_57 : memref<16xf32, #tpu.memory_space<hbm>>)
      tpu.yield
    }) : () -> ()
    return
  }
}

module attributes {stable_mosaic.version = 14 : i64} {
  func.func @_tc_kernel(%arg0: i32, %arg1: memref<1496x4xf32, #tpu.memory_space<vmem>>, %arg2: memref<8x5120xf32, #tpu.memory_space<vmem>>, %arg3: memref<1496x4xf32, #tpu.memory_space<vmem>>) attributes {dimension_semantics = [#tpu.dimension_semantics<arbitrary>], iteration_bounds = array<i64: 3>, scalar_prefetch = 0 : i64, scratch_operands = 0 : i64, tpu.core_type = #tpu.core_type<tc>, window_params = [{transform_indices = @transform_0, window_bounds = array<i64: 1496, 4>}, {pipeline_mode = #tpu.pipeline_mode<synchronous>, transform_indices = @transform_1, window_bounds = array<i64: 8, 5120>}, {transform_indices = @transform_2, window_bounds = array<i64: 1496, 4>}]} {
    %get3A = arith.constant 0 : index
    %get3A_0 = arith.constant 0 : index
    %get3A_1 = vector.load %arg1[%get3A, %get3A_0] : memref<1496x4xf32, #tpu.memory_space<vmem>>, vector<1496x1xf32>
    %get3A_2 = arith.constant 0 : index
    %get3A_3 = arith.constant 1 : index
    %get3A_4 = vector.load %arg1[%get3A_2, %get3A_3] : memref<1496x4xf32, #tpu.memory_space<vmem>>, vector<1496x1xf32>
    %get3A_5 = arith.constant 0 : index
    %get3A_6 = arith.constant 2 : index
    %get3A_7 = vector.load %arg1[%get3A_5, %get3A_6] : memref<1496x4xf32, #tpu.memory_space<vmem>>, vector<1496x1xf32>
    %get3A_8 = arith.constant 0 : index
    %get3A_9 = arith.constant 3 : index
    %get3A_10 = vector.load %arg1[%get3A_8, %get3A_9] : memref<1496x4xf32, #tpu.memory_space<vmem>>, vector<1496x1xf32>
    %get3A_11 = arith.constant 0 : index
    %get3A_12 = arith.constant 0 : index
    %get3A_13 = vector.load %arg2[%get3A_11, %get3A_12] : memref<8x5120xf32, #tpu.memory_space<vmem>>, vector<1x5120xf32>
    %get3A_14 = arith.constant 1 : index
    %get3A_15 = arith.constant 0 : index
    %get3A_16 = vector.load %arg2[%get3A_14, %get3A_15] : memref<8x5120xf32, #tpu.memory_space<vmem>>, vector<1x5120xf32>
    %get3A_17 = arith.constant 2 : index
    %get3A_18 = arith.constant 0 : index
    %get3A_19 = vector.load %arg2[%get3A_17, %get3A_18] : memref<8x5120xf32, #tpu.memory_space<vmem>>, vector<1x5120xf32>
    %get3A_20 = arith.constant 3 : index
    %get3A_21 = arith.constant 0 : index
    %get3A_22 = vector.load %arg2[%get3A_20, %get3A_21] : memref<8x5120xf32, #tpu.memory_space<vmem>>, vector<1x5120xf32>
    %sub3A = arith.subf %get3A_19, %get3A_13 : vector<1x5120xf32>
    %sub3A_23 = arith.subf %get3A_22, %get3A_16 : vector<1x5120xf32>
    %mul3A = arith.mulf %sub3A, %sub3A_23 : vector<1x5120xf32>
    %broadcast_in_dim3A = vector.shape_cast %mul3A : vector<1x5120xf32> to vector<1x5120xf32>
    %broadcast_in_dim3A_24 = vector.broadcast %broadcast_in_dim3A : vector<1x5120xf32> to vector<1496x5120xf32>
    %broadcast_in_dim3A_25 = arith.constant 0.000000e+00 : f32
    %broadcast_in_dim3A_26 = vector.broadcast %broadcast_in_dim3A_25 : f32 to vector<1496x5120xf32>
    %ge3A = vector.broadcast %get3A_13 : vector<1x5120xf32> to vector<1496x5120xf32>
    %ge3A_27 = vector.broadcast %get3A_1 : vector<1496x1xf32> to vector<1496x5120xf32>
    %ge3A_28 = arith.cmpf oge, %ge3A, %ge3A_27 : vector<1496x5120xf32>
    %ge3A_29 = vector.broadcast %get3A_16 : vector<1x5120xf32> to vector<1496x5120xf32>
    %ge3A_30 = vector.broadcast %get3A_4 : vector<1496x1xf32> to vector<1496x5120xf32>
    %ge3A_31 = arith.cmpf oge, %ge3A_29, %ge3A_30 : vector<1496x5120xf32>
    %and3A = arith.andi %ge3A_28, %ge3A_31 : vector<1496x5120xi1>
    %le3A = vector.broadcast %get3A_19 : vector<1x5120xf32> to vector<1496x5120xf32>
    %le3A_32 = vector.broadcast %get3A_7 : vector<1496x1xf32> to vector<1496x5120xf32>
    %le3A_33 = arith.cmpf ole, %le3A, %le3A_32 : vector<1496x5120xf32>
    %le3A_34 = vector.broadcast %get3A_22 : vector<1x5120xf32> to vector<1496x5120xf32>
    %le3A_35 = vector.broadcast %get3A_10 : vector<1496x1xf32> to vector<1496x5120xf32>
    %le3A_36 = arith.cmpf ole, %le3A_34, %le3A_35 : vector<1496x5120xf32>
    %and3A_37 = arith.andi %le3A_33, %le3A_36 : vector<1496x5120xi1>
    %select_n3A = arith.select %and3A_37, %broadcast_in_dim3A_24, %broadcast_in_dim3A_26 : vector<1496x5120xi1>, vector<1496x5120xf32>
    %select_n3A_38 = arith.select %and3A, %select_n3A, %broadcast_in_dim3A_26 : vector<1496x5120xi1>, vector<1496x5120xf32>
    %reduce_sum3A = arith.constant dense<0.000000e+00> : vector<1496xf32>
    %reduce_sum3A_39 = vector.multi_reduction <add>, %select_n3A_38, %reduce_sum3A [1] : vector<1496x5120xf32> to vector<1496xf32>
    %broadcast_in_dim3A_40 = vector.shape_cast %reduce_sum3A_39 : vector<1496xf32> to vector<1496x1xf32>
    %sub3A_41 = arith.subf %get3A_7, %get3A_1 : vector<1496x1xf32>
    %sub3A_42 = arith.subf %get3A_10, %get3A_4 : vector<1496x1xf32>
    %mul3A_43 = arith.mulf %sub3A_41, %sub3A_42 : vector<1496x1xf32>
    %sub3A_44 = arith.subf %broadcast_in_dim3A_40, %mul3A_43 : vector<1496x1xf32>
    %add3A = arith.constant 9.99999971E-10 : f32
    %add3A_45 = vector.broadcast %add3A : f32 to vector<1496x1xf32>
    %add3A_46 = arith.addf %mul3A_43, %add3A_45 : vector<1496x1xf32>
    %mul3A_47 = arith.constant 8.000000e-01 : f32
    %mul3A_48 = vector.broadcast %mul3A_47 : f32 to vector<1496x1xf32>
    %mul3A_49 = arith.mulf %mul3A_48, %add3A_46 : vector<1496x1xf32>
    %le3A_50 = arith.cmpf ole, %sub3A_44, %mul3A_49 : vector<1496x1xf32>
    %get3A_51 = arith.constant 0 : index
    %get3A_52 = arith.constant 0 : index
    %get3A_53 = vector.load %arg1[%get3A_51, %get3A_52] : memref<1496x4xf32, #tpu.memory_space<vmem>>, vector<1496x4xf32>
    %convert_element_type3A = arith.extui %le3A_50 : vector<1496x1xi1> to vector<1496x1xi32>
    %convert_element_type3A_54 = arith.sitofp %convert_element_type3A : vector<1496x1xi32> to vector<1496x1xf32>
    %mul3A_55 = vector.broadcast %convert_element_type3A_54 : vector<1496x1xf32> to vector<1496x4xf32>
    %mul3A_56 = arith.mulf %get3A_53, %mul3A_55 : vector<1496x4xf32>
    %swap3A = arith.constant 0 : index
    %swap3A_57 = arith.constant 0 : index
    %swap3A_58 = vector.load %arg3[%swap3A, %swap3A_57] : memref<1496x4xf32, #tpu.memory_space<vmem>>, vector<1496x4xf32>
    tpu.vector_store %arg3[%swap3A, %swap3A_57], %mul3A_56 {strides = array<i32>} : memref<1496x4xf32, #tpu.memory_space<vmem>>, vector<1496x4xf32>,
    return
  }
  func.func @transform_0(%arg0: i32) -> (i32, i32) {
    %c0_i32 = arith.constant 0 : i32
    %c0_i32_0 = arith.constant 0 : i32
    return %arg0, %c0_i32 : i32, i32
  }
  func.func @transform_1(%arg0: i32) -> (i32, i32) {
    %c0_i32 = arith.constant 0 : i32
    %c0_i32_0 = arith.constant 0 : i32
    %c0_i32_1 = arith.constant 0 : i32
    return %c0_i32, %c0_i32_0 : i32, i32
  }
  func.func @transform_2(%arg0: i32) -> (i32, i32) {
    %c0_i32 = arith.constant 0 : i32
    %c0_i32_0 = arith.constant 0 : i32
    return %arg0, %c0_i32 : i32, i32
  }
}

</mosaic_0001>

<sc_bundles>
// kernel: kernel.4.cloned.1.call-start
scs
__scs_entry_jumppad:
0x0: {  	(pc) =	sbr.rel $0x88, $3  }
0x1: {  	(tag) =	ssettag $0x0;
	lr =	simm.s32 $0x1  }
0x2: {  	[smem:$0x3FA0] =	sst lr;
	_ =	strace $0xD0000000  }
0x3: {  	_ = 	snop  }
0x4: {  	_ = 	snop  }
0x5: {  	_ = 	snop  }
0x6: {  	_ = 	snop  }
0x7: {  	_ = 	snop  }
__scs_overlays_trampoline_lowered:
0x8: {  	[smem:$0x3FAF] =	sst s0  }
0x9: {  	[smem:$0x3FB0] =	sst s1  }
0xa: {  	[smem:$0x3FB1] =	sst s2  }
0xb: {  	[smem:$0x3FB2] =	sst s3  }
0xc: {  	[smem:$0x3FB3] =	sst s4  }
0xd: {  	[smem:$0x3FB4] =	sst s5  }
0xe: {  	[smem:$0x3FB5] =	sst s6  }
0xf: {  	[smem:$0x3FB6] =	sst s7  }
0x10: {  	[smem:$0x3FB7] =	sst s8  }
0x11: {  	[smem:$0x3FB8] =	sst s9;
	s0 =	simm.s32 @!p0 $0x0  }
0x12: {  	s1 =	sld [smem:$0x3F9E];
	s0 =	simm.s32 @p0 $0x1  }
0x13: {  	[smem:$0x3FB9] =	sst s0;
	s0 =	simm.s32 @!p1 $0x0  }
0x14: {  	s2 =	sld [smem:$0x3F9D];
	s0 =	simm.s32 @p1 $0x1  }
0x15: {  	[smem:$0x3FBA] =	sst s0;
	s0 =	simm.s32 @!p2 $0x0  }
0x16: {  	s3 =	sld [smem:$0x3FDB];
	s0 =	simm.s32 @p2 $0x1  }
0x17: {  	s4 =	simm.s32 $0x1BF5;
	[smem:$0x3FBC] =	sst s0  }
0x18: {  	s0 =	sld [smem:$0x3F9F];
	_ =	swait.ge [sflag:s4], $0x0  }
0x19: {  	s7 =	sld [smem:$0x3FA0]  }
0x1a: {  	s8 =	sadd.s32 $0xFFFFE003, lr  }
0x1b: {  	s9 =	sadd.s32 $0xFFFFFEF7, lr;
	s5 =	simm.s32 $0xFFFFFFFF;
	p2 =	slt.u32 s8, $0xFFFFF086  }
0x1c: {  	p1 =	slt.u32 s9, $0xF7A;
	s5 =	simm.s32 @!p2 $0x0  }
0x1d: {  	s5 =	simm.s32 @p1 $0x1;
	p0 =	seq.s32 s7, s2  }
0x1e: {  	s7 =	smul.u32 @!p0 $0xF7A, s2;
	p2 =	seq.s32 @!p0 s5, $0x0  }
0x1f: {  	s9 =	smul.u32 $0xF7A, s1;
	s8 =	simm.s32 @!p0 $0x1BF5;
	p2 =	por !p2, p0  }
0x20: {  	[sflag:s8] =	ssyncset.s32 @!p0 $0xFFFFF086;
	s6 =	sadd.s32 @!p0 s3, s7;
	s7 =	simm.s32 @!p0 $0x108  }
0x21: {  	s3 =	sadd.s32 s3, s9;
	s6 =	sadd.s32 @!p0 $0x88, s6;
	s7 =	simm.s32 @p2 $0x1082  }
0x22: {  	[simem:s7], [sflag:s8] =	dma.local @!p0 [hbm:s6], $0xF7A  }
0x23: {  	s9 =	sor.u32 $0xD0000000, s2;
	s6 =	simm.s32 $0x108;
	_ =	swait.ge @!p0 [sflag:s8], $0x0  }
0x24: {  	s3 =	sadd.s32 $0x88, s3;
	s6 =	simm.s32 @!p1 $0x1082;
	[sflag:s4] =	ssyncset.s32 $0xFFFFF086  }
0x25: {  	[simem:s6], [sflag:s4] =	dma.local [hbm:s3], $0xF7A  }
0x26: {  	[smem:$0x3FA0] =	sst s1;
	(tag) =	ssettag s2;
	_ =	strace s9  }
0x27: {  	s1 =	sld [smem:$0x3FB0]  }
0x28: {  	s2 =	sld [smem:$0x3FB1]  }
0x29: {  	s4 =	sld [smem:$0x3FB3]  }
0x2a: {  	p0 =	seq.s32 s5, $0x0;
	s5 =	sld [smem:$0x3FB4]  }
0x2b: {  	s6 =	sld [smem:$0x3FB5]  }
0x2c: {  	s7 =	sld [smem:$0x3FB6]  }
0x2d: {  	s3 =	simm.s32 $0x108;
	s8 =	sld [smem:$0x3FB7]  }
0x2e: {  	s3 =	simm.s32 @!p0 $0x1082;
	s9 =	sld [smem:$0x3FB8]  }
0x2f: {  	lr =	sadd.s32 s0, s3;
	s0 =	sld [smem:$0x3FAF]  }
0x30: {  	s3 =	sld [smem:$0x3FB2]  }
0x31: {  	[smem:$0x3FBB] =	sst s10  }
0x32: {  	s10 =	sld [smem:$0x3FB9];
	_ =	sdelay $0x3  }
0x33: {  	p0 =	seq.s32 s10, $0x1;
	s10 =	sld [smem:$0x3FBB];
	_ =	sdelay $0x3  }
0x34: {  	[smem:$0x3FBB] =	sst s10  }
0x35: {  	s10 =	sld [smem:$0x3FBA];
	_ =	sdelay $0x3  }
0x36: {  	p1 =	seq.s32 s10, $0x1;
	s10 =	sld [smem:$0x3FBB];
	_ =	sdelay $0x3  }
0x37: {  	[smem:$0x3FBB] =	sst s10  }
0x38: {  	s10 =	sld [smem:$0x3FBC]  }
0x39: {  	_ = 	snop;
	(pc) =	sbr.ind lr, $3  }
0x3a: {  	_ = 	snop  }
0x3b: {  	_ = 	snop  }
0x3c: {  	p2 =	seq.s32 s10, $0x1;
	s10 =	sld [smem:$0x3FBB]  }
0x3d: {  	_ =	shalt  }
0x3e: {  	_ =	shalt  }
0x3f: {  	_ =	shalt  }
0x40: {  	_ =	shalt  }
0x41: {  	_ =	shalt  }
0x42: {  	_ =	shalt  }
0x43: {  	_ =	shalt  }
0x44: {  	_ =	shalt  }
0x45: {  	_ =	shalt  }
0x46: {  	_ =	shalt  }
0x47: {  	_ =	shalt  }
0x48: {  	_ =	shalt  }
0x49: {  	_ =	shalt  }
0x4a: {  	_ =	shalt  }
0x4b: {  	_ =	shalt  }
0x4c: {  	_ =	shalt  }
0x4d: {  	_ =	shalt  }
0x4e: {  	_ =	shalt  }
0x4f: {  	_ =	shalt  }
0x50: {  	_ =	shalt  }
0x51: {  	_ =	shalt  }
0x52: {  	_ =	shalt  }
0x53: {  	_ =	shalt  }
0x54: {  	_ =	shalt  }
0x55: {  	_ =	shalt  }
0x56: {  	_ =	shalt  }
0x57: {  	_ =	shalt  }
0x58: {  	_ =	shalt  }
0x59: {  	_ =	shalt  }
0x5a: {  	_ =	shalt  }
0x5b: {  	_ =	shalt  }
0x5c: {  	_ =	shalt  }
0x5d: {  	_ =	shalt  }
0x5e: {  	_ =	shalt  }
0x5f: {  	_ =	shalt  }
0x60: {  	_ =	shalt  }
0x61: {  	_ =	shalt  }
0x62: {  	_ =	shalt  }
0x63: {  	_ =	shalt  }
0x64: {  	_ =	shalt  }
0x65: {  	_ =	shalt  }
0x66: {  	_ =	shalt  }
0x67: {  	_ =	shalt  }
0x68: {  	_ =	shalt  }
0x69: {  	_ =	shalt  }
0x6a: {  	_ =	shalt  }
0x6b: {  	_ =	shalt  }
0x6c: {  	_ =	shalt  }
0x6d: {  	_ =	shalt  }
0x6e: {  	_ =	shalt  }
0x6f: {  	_ =	shalt  }
0x70: {  	_ =	shalt  }
0x71: {  	_ =	shalt  }
0x72: {  	_ =	shalt  }
0x73: {  	_ =	shalt  }
0x74: {  	_ =	shalt  }
0x75: {  	_ =	shalt  }
0x76: {  	_ =	shalt  }
0x77: {  	_ =	shalt  }
0x78: {  	_ =	shalt  }
0x79: {  	_ =	shalt  }
0x7a: {  	_ =	shalt  }
0x7b: {  	_ =	shalt  }
0x7c: {  	_ =	shalt  }
0x7d: {  	_ =	shalt  }
0x7e: {  	_ =	shalt  }
0x7f: {  	_ =	shalt  }
0x80: {  	_ =	shalt  }
0x81: {  	_ =	shalt  }
0x82: {  	_ =	shalt  }
0x83: {  	_ =	shalt  }
0x84: {  	_ =	shalt  }
0x85: {  	_ =	shalt  }
0x86: {  	_ =	shalt  }
0x87: {  	_ =	shalt  }
.Lfunc_end0:
.L_simem_size_0:
called_computation_lowered:
.L_overlay_start_0:
0x88: {  	s2 =	sld [smem:$0x3FD9]  }
0x89: {  	s3 =	sld [smem:$0x3FFE];
	_ =	sdelay $0x1  }
0x8a: {  	s1 =	srdreg.scid  }
0x8b: {  	s0 =	sand.u32 $0x1, s1  }
0x8c: {  	s17 =	sshll.u32 s0, $0xA;
	s2 =	sadd.s32 s3, s2  }
0x8d: {  	s2 =	sadd.s32 s2, s17  }
0x8e: {  	[smem:$0x3FC7] =	sst s2  }
0x8f: {  	_ = 	snop  }
0x90: {  	s2 =	sld [smem:$0x3FD0];
	(tm) =	ssettm $0x1  }
0x91: {  	s18 =	sld [smem:$0x3FFB];
	_ =	sdelay $0x3  }
0x92: {  	_ =	strace s18  }
0x93: {  	s3 =	sld [smem:$0x3FFC];
	_ =	sdelay $0x3  }
0x94: {  	_ =	strace s3  }
0x95: {  	s3 =	sld [smem:$0x3FFD];
	_ =	sdelay $0x3  }
0x96: {  	_ =	strace s3  }
0x97: {  	_ =	strace $0x8FFFFFFF  }
0x98: {  	s19 =	sld [smem:$0x3FDB];
	_ =	sdelay $0x1  }
0x99: {  	s4 =	simm.s32 $_scs_section_size  }
0x9a: {  	s5 =	simm.s32 $_size__tile_overlayer_lowered;
	s6 =	simm.s32 $_tile_overlayer_lowered  }
0x9b: {  	s22 =	simm.s32 $0x1BFF;
	s21 =	sshll.u32 s6, $0x1;
	s3 =	sadd.s32 s4, s19  }
0x9c: {  	s7 =	simm.s32 $0x0;
	s20 =	sshll.u32 s5, $0x1;
	s5 =	sadd.s32 s21, s3  }
0x9d: {  	[timem:s7], [sflag:s22] =	dma.local [hbm:s5], s20  }
0x9e: {  	_ =	swait.ge [sflag:s22], s20  }
0x9f: {  	s4 =	ssub.s32 $0x0, s20;
	[sflag:s22] =	ssyncset.done $0x0  }
0xa0: {  	[sflag:s22] =	ssyncadd.s32 s4;
	_ =	sdelay $0x1  }
0xa1: {  	s23 =	simm.s32 $0x1B8B  }
0xa2: {  	_ =	swait.ge [sflag:s23], $0x1  }
0xa3: {  	[sflag:s23] =	ssyncset.done $0x0  }
0xa4: {  	s25 =	simm.s32 $0x1B8E;
	s24 =	sld [smem:$0x3FFE];
	[sflag:s23] =	ssyncadd.s32 $0xFFFFFFFF  }
0xa5: {  	s26 =	simm.s32 $execute0_lowered;
	[smem:$0x3FD2] =	sst s25  }
0xa6: {  	s5 =	sshll.u32 s26, $0x1;
	_ =	strace $0x80000046;
	[dreg:$0x1] =	wrdreg $0xFFFFFFFF  }
0xa7: {  	s28 =	simm.s32 $_size_execute0_lowered;
	s3 =	sadd.s32 s3, s5;
	[dreg:$0x0] =	wrdreg $0x0  }
0xa8: {  	s5 =	sshll.u32 s28, $0x1;
	[dreg:$0x2] =	wrdreg s3  }
0xa9: {  	[dreg:$0x3] =	wrdreg s5  }
0xaa: {  	[dreg:$0x4] =	wrdreg $0xC0  }
0xab: {  	_ =	task [dreg:s7], $0x5FFFF  }
0xac: {  	[dreg:$0x1] =	wrdreg $0xFFFFFFFF  }
0xad: {  	[dreg:$0x0] =	wrdreg $0x60  }
0xae: {  	[dreg:$0x2] =	wrdreg s24  }
0xaf: {  	[dreg:$0x3] =	wrdreg s2  }
0xb0: {  	[dreg:$0x4] =	wrdreg $0x9  }
0xb1: {  	_ =	task.clear_ibuf [dreg:s7], $0x5FFFF;
	_ =	strace $0x90000046  }
0xb2: {  	s29 =	simm.s32 $0x9;
	_ =	strace $0x80000048  }
0xb3: {  	_ =	swait.ge [sflag:s29], $0x1  }
0xb4: {  	[sflag:s29] =	ssyncadd.s32 $0xFFFFFFFF  }
0xb5: {  	_ =	strace $0x90000048  }
0xb6: {  	_ =	sfence  }
0xb7: {  	s30 =	sld [smem:$0x0];
	_ =	sdelay $0x2  }
0xb8: {  	s31 =	sshll.u32 s1, $0xD;
	s1 =	sshrl.u32 s1, $0x2  }
0xb9: {  	s3 =	sand.u32 $0x4000, s31;
	s1 =	sadd.s32 s1, s30  }
0xba: {  	s0 =	sor.u32 s3, s0;
	s1 =	sshll.u32 s1, $0x11  }
0xbb: {  	s0 =	sor.u32 s1, s0  }
0xbc: {  	s0 =	sadd.s32 $0x8F2B, s0  }
0xbd: {  	[sflag:s0] =	ssyncadd.remote.s32 $0x1  }
0xbe: {  	_ =	sfence.sel $0xFFFF  }
0xbf: {  	[dreg:$0x0] =	wrdreg $0xFFFFFFFF;
	(pc) =	sbr.abs _section_cstart, $3  }
0xc0: {  	[dreg:$0x1] =	wrdreg $0xFFFFFFFF  }
0xc1: {  	_ =	task.clear_ibuf [dreg:s7], $0x2FFFF;
	_ =	strace $0x9FFFFFFF  }
0xc2: {  	(tm) =	ssettm $0x7FFFFFFF  }
0xc3: {  	_ =	shalt  }
tec
execute0_lowered:
.L_overlay_start_1:
0x0: {  	(tag) =	ssettag $0x1  }
0x1: {  	s4 =	rddreg [dreg:$0x0]  }
0x2: {  	s5 =	rddreg [dreg:$0x1]  }
0x3: {  	s0 =	rddreg [dreg:$0x2]  }
0x4: {  	s2 =	simm.s32 $0x0;
	s3 =	srdreg.scid;
	s1 =	stileid.u32  }
0x5: {  	s11 =	simm.s32 $0xA000;
	s12 =	simm.s32 $0xA080;
	s13 =	simm.s32 $0xA100  }
0x6: {  	s14 =	simm.s32 $0xA180;
	s15 =	simm.s32 $0xA200;
	s16 =	simm.s32 $0x0  }
0x7: {  	[smem:$0x7FF] =	sst s2;
	s3 =	sand.u32 $0x1, s3;
	s6 =	sshll.u32 s1, $0x2  }
0x8: {  	_ =	strace $0x80000047;
	s7 =	sshll.u32 s3, $0x1;
	s8 =	ssub.s32 $0x2, s3  }
0x9: {  	s3 =	sadd.s32 $0x600, s4;
	s6 =	sor.u32 s7, s6;
	s31 =	sshrl.u32 s8, $0x1  }
0xa: {  	s9 =	sadd.s32 s6, s4;
	s10 =	ssub.s32 s8, s31;
	s4 =	sadd.s32 s5, s6  }
0xb: {  	s5 =	sadd.s32 $0x40, s4;
	s6 =	sadd.s32 $0x80, s4;
	s7 =	sadd.s32 $0xC0, s4  }
0xc: {  	s8 =	sadd.s32 $0x1A00, s9;
	s9 =	smax.u32 s10, $0x1;
	s10 =	simm.s32 $0x1  }
.LBB2_1:
0xd: {  	[tilespmem:s2], [sflag:$0x1] =	stream.linear.gather [hbm4b:s3+s2], $0xA000, $0x38;
	[tilespmem:$0xA280] =	vst v63  }
0xe: {  	_ =	swait.ge [sflag:s10], $0xA000  }
0xf: {  	[sflag:s10] =	ssyncset.done $0x0  }
0x10: {  	[sflag:s10] =	ssyncadd.s32 $0xFFFF6000  }
0x11: {  	[tilespmem:s11], [sflag:$0x1] =	stream.linear.gather [hbm4b:s4+s2], $0x10, $0x38;
	[tilespmem:$0xA280] =	vst v63  }
0x12: {  	_ =	swait.ge [sflag:s10], $0x10  }
0x13: {  	[sflag:s10] =	ssyncset.done $0x0  }
0x14: {  	[sflag:s10] =	ssyncadd.s32 $0xFFFFFFF0  }
0x15: {  	[tilespmem:s12], [sflag:$0x1] =	stream.linear.gather [hbm4b:s5+s2], $0x10, $0x38;
	[tilespmem:$0xA280] =	vst v63  }
0x16: {  	_ =	swait.ge [sflag:s10], $0x10  }
0x17: {  	[sflag:s10] =	ssyncset.done $0x0  }
0x18: {  	[sflag:s10] =	ssyncadd.s32 $0xFFFFFFF0  }
0x19: {  	[tilespmem:s13], [sflag:$0x1] =	stream.linear.gather [hbm4b:s6+s2], $0x10, $0x38;
	[tilespmem:$0xA280] =	vst v63  }
0x1a: {  	_ =	swait.ge [sflag:s10], $0x10  }
0x1b: {  	[sflag:s10] =	ssyncset.done $0x0  }
0x1c: {  	[sflag:s10] =	ssyncadd.s32 $0xFFFFFFF0  }
0x1d: {  	[tilespmem:s14], [sflag:$0x1] =	stream.linear.gather [hbm4b:s7+s2], $0x10, $0x38;
	[tilespmem:$0xA280] =	vst v63  }
0x1e: {  	_ =	swait.ge [sflag:s10], $0x10  }
0x1f: {  	s17 =	sand.u32 $0x70, s2;
	s18 =	sand.u32 $0xFC00, s2;
	[sflag:s10] =	ssyncset.done $0x0  }
0x20: {  	s17 =	sor.u32 s17, s18;
	[sflag:s10] =	ssyncadd.s32 $0xFFFFFFF0  }
0x21: {  	v6 =	vld [tilespmem:s17+$0x0];
	_ =	sdelay $0x1  }
0x22: {  	v16 =	vld [tilespmem:s17+$0x180];
	_ =	sdelay $0x1  }
0x23: {  	v7 =	vld [tilespmem:s17+$0x80]  }
0x24: {  	v1 =	vbroadcast v6, $0xA  }
0x25: {  	v8 =	vld [tilespmem:s17+$0x100]  }
0x26: {  	[tilespmem:$0x1FD40] =	vst v1;
	v1 =	vbroadcast v16, $0x8;
	_ =	sdelay $0x1  }
0x27: {  	[tilespmem:$0x1FD60] =	vst v1;
	v1 =	vbroadcast v7, $0x7;
	_ =	sdelay $0x1  }
0x28: {  	[tilespmem:$0x1FD80] =	vst v1;
	v1 =	vbroadcast v8, $0x7;
	_ =	sdelay $0x1  }
0x29: {  	[tilespmem:$0x1FD70] =	vst v1;
	v1 =	vbroadcast v6, $0x6;
	_ =	sdelay $0x1  }
0x2a: {  	[tilespmem:$0x1FD90] =	vst v1;
	v1 =	vbroadcast v7, $0x6  }
0x2b: {  	v4 =	vbroadcast v16, $0x4  }
0x2c: {  	v2 =	vld [tilespmem:$0xA080];
	[tilespmem:$0x1FDA0] =	vst v1;
	v1 =	vbroadcast v6, $0x5  }
0x2d: {  	[tilespmem:$0x1FCC0] =	vst v4  }
0x2e: {  	v4 =	vld [tilespmem:$0xA180];
	[tilespmem:$0x1FDB0] =	vst v1;
	v1 =	vbroadcast v8, $0x5  }
0x2f: {  	v18 =	vbroadcast v7, $0xD  }
0x30: {  	v0 =	vimm.s32 $0x0;
	v5 =	vbroadcast v6, $0xF;
	v10 =	vbroadcast v8, $0xF;
	[tilespmem:$0x1FDC0] =	vst v1;
	v1 =	vld [tilespmem:$0xA000]  }
0x31: {  	v13 =	vbroadcast v7, $0xE;
	v28 =	vbroadcast v16, $0xD;
	vm0 =	vge.f32 v18, v2  }
0x32: {  	v14 =	vbroadcast v8, $0xE;
	v17 =	vbroadcast v16, $0xE;
	v0 =	vsel vm0, $0xFFFFFFFF, v0  }
0x33: {  	v26 =	vbroadcast v6, $0xC;
	[tilespmem:$0x1FCF0] =	vst v0;
	v0 =	vimm.s32 $0x0;
	vm0 =	vle.f32 v28, v4  }
0x34: {  	v3 =	vld [tilespmem:$0xA100];
	v20 =	vbroadcast v8, $0xD;
	v35 =	vbroadcast v7, $0xC;
	v0 =	vsel vm0, $0xFFFFFFFF, v0  }
0x35: {  	v56 =	vbroadcast v8, $0xC;
	[tilespmem:$0x1FD00] =	vst v0;
	v0 =	vimm.s32 $0x0;
	vm0 =	vge.f32 v26, v1  }
0x36: {  	v57 =	vbroadcast v6, $0xB;
	v61 =	vbroadcast v16, $0xC;
	v0 =	vsel vm0, $0xFFFFFFFF, v0  }
0x37: {  	v58 =	vbroadcast v7, $0xB;
	vm0 =	vge.f32 v35, v2;
	[tilespmem:$0x1FD10] =	vst v0;
	v0 =	vimm.s32 $0x0  }
0x38: {  	vm6 =	vge.f32 v5, v1;
	v5 =	vsub.f32 v10, v5;
	v0 =	vsel vm0, $0xFFFFFFFF, v0  }
0x39: {  	v62 =	vbroadcast v8, $0xB;
	vm0 =	vle.f32 v56, v3;
	[tilespmem:$0x1FD20] =	vst v0;
	v0 =	vimm.s32 $0x0  }
0x3a: {  	v63 =	vbroadcast v16, $0xB;
	v21 =	vbroadcast v7, $0xA;
	[tilespmem:$0x1FCE0] =	vst v5;
	v0 =	vsel vm0, $0xFFFFFFFF, v0  }
0x3b: {  	v5 =	vimm.f32 $0.0e+00;
	vm0 =	vle.f32 v61, v4;
	[tilespmem:$0x1FD30] =	vst v0;
	v0 =	vimm.s32 $0x0  }
0x3c: {  	[tilespmem:$0x1FDD0] =	vst v5;
	v5 =	vimm.s32 $0x0;
	v0 =	vsel vm0, $0xFFFFFFFF, v0;
	vm0 =	vge.f32 v57, v1  }
0x3d: {  	v52 =	vbroadcast v8, $0xA;
	v19 =	vbroadcast v7, $0x3;
	v5 =	vsel vm0, $0xFFFFFFFF, v5  }
0x3e: {  	v59 =	vbroadcast v16, $0xA;
	vm0 =	vge.f32 v58, v2;
	[tilespmem:$0x1FDE0] =	vst v5;
	v5 =	vimm.s32 $0x0  }
0x3f: {  	v55 =	vbroadcast v8, $0x9;
	v36 =	vbroadcast v8, $0x8;
	[tilespmem:$0x1FCD0] =	vst v19;
	v19 =	vld [tilespmem:$0x1FD40];
	v5 =	vsel vm0, $0xFFFFFFFF, v5  }
0x40: {  	v53 =	vbroadcast v8, $0x6;
	vm0 =	vle.f32 v62, v3;
	[tilespmem:$0x1FDF0] =	vst v5;
	v5 =	vimm.s32 $0x0  }
0x41: {  	v29 =	vbroadcast v8, $0x4;
	v31 =	vbroadcast v8, $0x3;
	v5 =	vsel vm0, $0xFFFFFFFF, v5  }
0x42: {  	v34 =	vbroadcast v8, $0x2;
	vm0 =	vle.f32 v63, v4;
	[tilespmem:$0x1FE00] =	vst v5;
	v5 =	vimm.s32 $0x0  }
0x43: {  	v39 =	vbroadcast v8, $0x1;
	v43 =	vbroadcast v8, $0x0;
	v5 =	vsel vm0, $0xFFFFFFFF, v5  }
0x44: {  	vm13 =	vle.f32 v17, v4;
	vm0 =	vge.f32 v19, v1;
	[tilespmem:$0x1FE10] =	vst v5;
	v5 =	vimm.s32 $0x0  }
0x45: {  	[tilespmem:$0x1FE60] =	vst v59;
	v8 =	vsub.f32 v17, v13;
	v17 =	vsub.f32 v59, v21;
	v59 =	vmovc v21;
	v5 =	vsel vm0, $0xFFFFFFFF, v5  }
0x46: {  	vm0 =	vge.f32 v59, v2;
	[tilespmem:$0x1FE20] =	vst v5;
	v5 =	vimm.s32 $0x0  }
0x47: {  	[tilespmem:$0x1FE40] =	vst v52;
	v5 =	vsel vm0, $0xFFFFFFFF, v5  }
0x48: {  	[tilespmem:$0x1FE30] =	vst v5;
	v5 =	vld [tilespmem:$0x1FE40];
	_ =	sdelay $0x3  }
0x49: {  	v9 =	vbroadcast v7, $0xF  }
0x4a: {  	v11 =	vbroadcast v6, $0xE;
	vm0 =	vle.f32 v5, v3;
	v5 =	vimm.s32 $0x0  }
0x4b: {  	v12 =	vbroadcast v16, $0xF;
	v15 =	vbroadcast v6, $0xD;
	v5 =	vsel vm0, $0xFFFFFFFF, v5  }
0x4c: {  	v45 =	vbroadcast v6, $0x9;
	v51 =	vbroadcast v7, $0x9;
	[tilespmem:$0x1FE50] =	vst v5;
	v5 =	vld [tilespmem:$0x1FE60]  }
0x4d: {  	v46 =	vbroadcast v6, $0x8;
	v60 =	vbroadcast v16, $0x9  }
0x4e: {  	v47 =	vbroadcast v6, $0x7;
	v27 =	vbroadcast v6, $0x4  }
0x4f: {  	v22 =	vbroadcast v6, $0x3;
	v33 =	vbroadcast v6, $0x2  }
0x50: {  	v37 =	vbroadcast v6, $0x1;
	v40 =	vbroadcast v6, $0x0;
	vm8 =	vge.f32 v9, v2  }
0x51: {  	vm7 =	vle.f32 v12, v4;
	vm0 =	vle.f32 v5, v4;
	v5 =	vimm.s32 $0x0  }
0x52: {  	v6 =	vsub.f32 v12, v9;
	v12 =	vsub.f32 v61, v35;
	v61 =	vmovc v45;
	v5 =	vsel vm0, $0xFFFFFFFF, v5  }
0x53: {  	vm15 =	vle.f32 v20, v3;
	vm0 =	vge.f32 v61, v1;
	[tilespmem:$0x1FE70] =	vst v5;
	v5 =	vimm.s32 $0x0  }
0x54: {  	v9 =	vsub.f32 v20, v15;
	v20 =	vsub.f32 v60, v51;
	v21 =	vmovc v60;
	v60 =	vmovc v51;
	v5 =	vsel vm0, $0xFFFFFFFF, v5  }
0x55: {  	vm0 =	vge.f32 v60, v2;
	[tilespmem:$0x1FE80] =	vst v5;
	v5 =	vimm.s32 $0x0  }
0x56: {  	[tilespmem:$0x1FEA0] =	vst v55;
	v5 =	vsel vm0, $0xFFFFFFFF, v5  }
0x57: {  	[tilespmem:$0x1FE90] =	vst v5;
	v5 =	vld [tilespmem:$0x1FEA0];
	_ =	sdelay $0x4  }
0x58: {  	vm0 =	vle.f32 v5, v3;
	v5 =	vimm.s32 $0x0  }
0x59: {  	v5 =	vsel vm0, $0xFFFFFFFF, v5  }
0x5a: {  	vm0 =	vle.f32 v21, v4;
	[tilespmem:$0x1FEB0] =	vst v5;
	v5 =	vimm.s32 $0x0  }
0x5b: {  	[tilespmem:$0x1FED0] =	vst v46;
	v5 =	vsel vm0, $0xFFFFFFFF, v5  }
0x5c: {  	[tilespmem:$0x1FEC0] =	vst v5;
	v5 =	vld [tilespmem:$0x1FED0];
	_ =	sdelay $0x3  }
0x5d: {  	v42 =	vbroadcast v7, $0x8  }
0x5e: {  	vm0 =	vge.f32 v5, v1;
	v5 =	vimm.s32 $0x0  }
0x5f: {  	[tilespmem:$0x1FEF0] =	vst v42;
	v5 =	vsel vm0, $0xFFFFFFFF, v5  }
0x60: {  	[tilespmem:$0x1FEE0] =	vst v5;
	v5 =	vld [tilespmem:$0x1FEF0];
	_ =	sdelay $0x4  }
0x61: {  	vm0 =	vge.f32 v5, v2;
	v5 =	vimm.s32 $0x0  }
0x62: {  	[tilespmem:$0x1FF10] =	vst v36;
	v5 =	vsel vm0, $0xFFFFFFFF, v5  }
0x63: {  	[tilespmem:$0x1FF00] =	vst v5;
	v5 =	vld [tilespmem:$0x1FF10];
	_ =	sdelay $0x1  }
0x64: {  	v49 =	vld [tilespmem:$0x1FD60];
	_ =	sdelay $0x2  }
0x65: {  	vm0 =	vle.f32 v5, v3;
	v5 =	vimm.s32 $0x0  }
0x66: {  	v48 =	vbroadcast v16, $0x7;
	v54 =	vbroadcast v16, $0x6;
	[tilespmem:$0x1FF40] =	vst v47;
	v5 =	vsel vm0, $0xFFFFFFFF, v5  }
0x67: {  	v24 =	vbroadcast v7, $0x5;
	vm0 =	vle.f32 v49, v4;
	[tilespmem:$0x1FF20] =	vst v5;
	v5 =	vimm.s32 $0x0  }
0x68: {  	v23 =	vbroadcast v16, $0x5;
	v25 =	vbroadcast v7, $0x4;
	[tilespmem:$0x1FD50] =	vst v0;
	v0 =	vld [tilespmem:$0x1FD80];
	v5 =	vsel vm0, $0xFFFFFFFF, v5  }
0x69: {  	v30 =	vbroadcast v16, $0x3;
	v32 =	vbroadcast v7, $0x2;
	[tilespmem:$0x1FF30] =	vst v5;
	v5 =	vld [tilespmem:$0x1FF40]  }
0x6a: {  	v38 =	vbroadcast v7, $0x1;
	v41 =	vbroadcast v7, $0x0;
	vm5 =	vle.f32 v10, v3  }
0x6b: {  	v7 =	vsub.f32 v14, v11;
	vm9 =	vge.f32 v11, v1;
	v10 =	vsub.f32 v28, v18  }
0x6c: {  	vm14 =	vge.f32 v15, v1;
	v11 =	vsub.f32 v56, v26;
	v15 =	vsub.f32 v52, v19;
	v52 =	vld [tilespmem:$0x1FD70]  }
0x6d: {  	v18 =	vsub.f32 v55, v45;
	v26 =	vsub.f32 v36, v46;
	v46 =	vbroadcast v16, $0x1  }
0x6e: {  	v36 =	vsub.f32 v48, v0;
	vm0 =	vge.f32 v5, v1;
	v5 =	vimm.s32 $0x0  }
0x6f: {  	v5 =	vsel vm0, $0xFFFFFFFF, v5;
	vm0 =	vge.f32 v0, v2;
	v0 =	vimm.s32 $0x0  }
0x70: {  	v51 =	vmovc v48;
	v45 =	vbroadcast v16, $0x2;
	v48 =	vbroadcast v16, $0x0;
	v16 =	vld [tilespmem:$0x1FD90];
	v0 =	vsel vm0, $0xFFFFFFFF, v0  }
0x71: {  	vm0 =	vle.f32 v52, v3;
	[tilespmem:$0x1FF60] =	vst v0;
	v0 =	vimm.s32 $0x0  }
0x72: {  	v50 =	vld [tilespmem:$0x1FDA0];
	v0 =	vsel vm0, $0xFFFFFFFF, v0  }
0x73: {  	vm0 =	vle.f32 v51, v4;
	[tilespmem:$0x1FF70] =	vst v0;
	v0 =	vimm.s32 $0x0  }
0x74: {  	v0 =	vsel vm0, $0xFFFFFFFF, v0  }
0x75: {  	vm0 =	vge.f32 v16, v1;
	[tilespmem:$0x1FF80] =	vst v0;
	v0 =	vimm.s32 $0x0  }
0x76: {  	v0 =	vsel vm0, $0xFFFFFFFF, v0  }
0x77: {  	vm0 =	vge.f32 v50, v2;
	[tilespmem:$0x1FF90] =	vst v0;
	v0 =	vimm.s32 $0x0  }
0x78: {  	v55 =	vld [tilespmem:$0x1FDB0];
	v0 =	vsel vm0, $0xFFFFFFFF, v0  }
0x79: {  	vm0 =	vle.f32 v53, v3;
	[tilespmem:$0x1FFA0] =	vst v0;
	v0 =	vimm.s32 $0x0  }
0x7a: {  	v56 =	vld [tilespmem:$0x1FDC0];
	v0 =	vsel vm0, $0xFFFFFFFF, v0  }
0x7b: {  	vm0 =	vle.f32 v54, v4;
	[tilespmem:$0x1FFB0] =	vst v0;
	v0 =	vimm.s32 $0x0  }
0x7c: {  	v0 =	vsel vm0, $0xFFFFFFFF, v0  }
0x7d: {  	vm0 =	vge.f32 v55, v1;
	[tilespmem:$0x1FFC0] =	vst v0;
	v0 =	vimm.s32 $0x0  }
0x7e: {  	vm12 =	vge.f32 v13, v2;
	v0 =	vsel vm0, $0xFFFFFFFF, v0  }
0x7f: {  	vm10 =	vle.f32 v14, v3;
	vm0 =	vle.f32 v56, v3;
	[tilespmem:$0x1FFD0] =	vst v0;
	v0 =	vimm.s32 $0x0  }
0x80: {  	v14 =	vsub.f32 v63, v58;
	v13 =	vsub.f32 v62, v57;
	v0 =	vsel vm0, $0xFFFFFFFF, v0  }
0x81: {  	v44 =	vsub.f32 v54, v50;
	vm0 =	vle.f32 v23, v4;
	[tilespmem:$0x1FFE0] =	vst v0;
	v0 =	vimm.s32 $0x0  }
0x82: {  	v28 =	vsub.f32 v49, v42;
	v35 =	vsub.f32 v52, v47;
	[tilespmem:$0x1FF50] =	vst v5;
	v0 =	vsel vm0, $0xFFFFFFFF, v0  }
0x83: {  	s18 =	simm.s32 $0x0;
	s17 =	simm.s32 $0x10;
	vm11 =	vge.f32 v24, v2;
	v47 =	vsub.f32 v56, v55;
	v42 =	vsub.f32 v53, v16;
	[tilespmem:$0x1FFF0] =	vst v0  }
.LBB2_2:
0x84: {  	v0 =	vimm.s32 $0x0  }
0x85: {  	v0 =	vsel vm14, $0xFFFFFFFF, v0  }
0x86: {  	[tilespmem:$0x1FBC0] =	vst v0;
	v0 =	vimm.s32 $0x0  }
0x87: {  	v0 =	vsel vm15, $0xFFFFFFFF, v0  }
0x88: {  	[tilespmem:$0x1FBD0] =	vst v0;
	v0 =	vimm.s32 $0x0  }
0x89: {  	v0 =	vsel vm9, $0xFFFFFFFF, v0  }
0x8a: {  	[tilespmem:$0x1FBF0] =	vst v0;
	v0 =	vimm.s32 $0x0  }
0x8b: {  	v0 =	vsel vm10, $0xFFFFFFFF, v0  }
0x8c: {  	[tilespmem:$0x1FC10] =	vst v0;
	v0 =	vimm.s32 $0x0  }
0x8d: {  	v0 =	vsel vm13, $0xFFFFFFFF, v0  }
0x8e: {  	[tilespmem:$0x1FC00] =	vst v0;
	v0 =	vimm.s32 $0x0  }
0x8f: {  	v0 =	vsel vm12, $0xFFFFFFFF, v0  }
0x90: {  	[tilespmem:$0x1FBE0] =	vst v0;
	v0 =	vimm.s32 $0x0  }
0x91: {  	v0 =	vsel vm8, $0xFFFFFFFF, v0  }
0x92: {  	[tilespmem:$0x1FC30] =	vst v0;
	v0 =	vimm.s32 $0x0  }
0x93: {  	v0 =	vsel vm6, $0xFFFFFFFF, v0  }
0x94: {  	[tilespmem:$0x1FC20] =	vst v0;
	v0 =	vimm.s32 $0x0  }
0x95: {  	v0 =	vsel vm7, $0xFFFFFFFF, v0  }
0x96: {  	[tilespmem:$0x1FC50] =	vst v0;
	v0 =	vimm.s32 $0x0  }
0x97: {  	v0 =	vsel vm5, $0xFFFFFFFF, v0  }
0x98: {  	vm0 =	vge.f32 v27, v1;
	[tilespmem:$0x1FC40] =	vst v0;
	v0 =	vimm.s32 $0x0  }
0x99: {  	v0 =	vsel vm0, $0xFFFFFFFF, v0  }
0x9a: {  	vm0 =	vge.f32 v25, v2;
	[tilespmem:$0x1FB80] =	vst v0;
	v0 =	vimm.s32 $0x0  }
0x9b: {  	v5 =	vimm.s32 $0x0;
	v0 =	vsel vm0, $0xFFFFFFFF, v0;
	vm0 =	vle.f32 v29, v3  }
0x9c: {  	v5 =	vsel vm0, $0xFFFFFFFF, v5  }
0x9d: {  	[tilespmem:$0x1FBA0] =	vst v5;
	v5 =	vld [tilespmem:$0x1FCC0];
	_ =	sdelay $0x4  }
0x9e: {  	v16 =	vimm.s32 $0x0;
	vm0 =	vle.f32 v5, v4  }
0x9f: {  	v16 =	vsel vm0, $0xFFFFFFFF, v16  }
0xa0: {  	[tilespmem:$0x1FBB0] =	vst v16;
	v16 =	vld [tilespmem:$0x1FCD0];
	_ =	sdelay $0x1  }
0xa1: {  	vm3 =	vle.f32 v30, v4  }
0xa2: {  	vm2 =	vle.f32 v31, v3;
	[tilespmem:$0x1FB90] =	vst v0;
	v0 =	vsub.f32 v23, v24;
	v21 =	vsub.f32 v5, v25  }
0xa3: {  	vm0 =	vge.f32 v22, v1;
	v22 =	vsub.f32 v31, v22;
	v31 =	vsub.f32 v48, v41  }
0xa4: {  	vm14 =	vge.f32 v40, v1;
	v5 =	vld [tilespmem:$0x1FDD0];
	v23 =	vsub.f32 v30, v16;
	v30 =	vsub.f32 v43, v40  }
0xa5: {  	vm15 =	vge.f32 v41, v2;
	vm9 =	vle.f32 v43, v3;
	vm10 =	vle.f32 v48, v4  }
0xa6: {  	vm14 =	vmand vm14, vm15;
	vm9 =	vmand vm9, vm10;
	v30 =	vmul.f32 v31, v30  }
0xa7: {  	vm9 =	vmand vm14, vm9  }
0xa8: {  	v30 =	vnsel vm9, $0x0, v30  }
0xa9: {  	vm1 =	vge.f32 v16, v2;
	v16 =	vadd.f32 v30, v5;
	v5 =	vld [tilespmem:$0x1FB80];
	_ =	sdelay $0x3  }
0xaa: {  	vm0 =	vmand vm0, vm1;
	vm1 =	vmand vm2, vm3  }
0xab: {  	vm0 =	vmand vm0, vm1;
	vm1 =	vnez.u8 v5;
	v5 =	vld [tilespmem:$0x1FB90];
	_ =	sdelay $0x4  }
0xac: {  	vm2 =	vnez.u8 v5;
	v5 =	vld [tilespmem:$0x1FBA0];
	_ =	sdelay $0x2  }
0xad: {  	v22 =	vmul.f32 v23, v22;
	_ =	sdelay $0x1  }
0xae: {  	v22 =	vnsel vm0, $0x0, v22;
	vm0 =	vnez.u8 v5;
	v5 =	vld [tilespmem:$0x1FBB0];
	_ =	sdelay $0x4  }
0xaf: {  	vm1 =	vmand vm1, vm2;
	vm2 =	vnez.u8 v5;
	v5 =	vld [tilespmem:$0x1FFD0];
	_ =	sdelay $0x3  }
0xb0: {  	vm0 =	vmand vm0, vm2  }
0xb1: {  	vm0 =	vmand vm1, vm0;
	vm1 =	vnez.u8 v5;
	v5 =	vld [tilespmem:$0x1FFE0]  }
0xb2: {  	v19 =	vsub.f32 v29, v27;
	_ =	sdelay $0x1  }
0xb3: {  	v19 =	vmul.f32 v21, v19;
	_ =	sdelay $0x1  }
0xb4: {  	v19 =	vnsel vm0, $0x0, v19;
	vm0 =	vnez.u8 v5;
	v5 =	vld [tilespmem:$0x1FFF0];
	_ =	sdelay $0x4  }
0xb5: {  	vm2 =	vnez.u8 v5;
	v5 =	vld [tilespmem:$0x1FF90];
	_ =	sdelay $0x3  }
0xb6: {  	vm1 =	vmand vm1, vm11;
	vm0 =	vmand vm0, vm2  }
0xb7: {  	vm0 =	vmand vm1, vm0;
	vm1 =	vnez.u8 v5;
	v5 =	vld [tilespmem:$0x1FFA0];
	_ =	sdelay $0x4  }
0xb8: {  	vm2 =	vnez.u8 v5;
	v5 =	vld [tilespmem:$0x1FFB0];
	_ =	sdelay $0x2  }
0xb9: {  	v0 =	vmul.f32 v0, v47;
	_ =	sdelay $0x1  }
0xba: {  	v0 =	vnsel vm0, $0x0, v0;
	vm0 =	vnez.u8 v5;
	v5 =	vld [tilespmem:$0x1FFC0];
	_ =	sdelay $0x2  }
0xbb: {  	vm4 =	vge.f32 v33, v1  }
0xbc: {  	v27 =	vsub.f32 v39, v37;
	vm10 =	vle.f32 v46, v4;
	vm12 =	vge.f32 v38, v2  }
0xbd: {  	vm8 =	vge.f32 v37, v1;
	vm1 =	vmand vm1, vm2;
	vm2 =	vnez.u8 v5;
	v5 =	vld [tilespmem:$0x1FF50]  }
0xbe: {  	vm13 =	vle.f32 v39, v3;
	vm8 =	vmand vm8, vm12;
	v29 =	vsub.f32 v46, v38  }
0xbf: {  	vm6 =	vle.f32 v34, v3;
	vm7 =	vle.f32 v45, v4;
	vm5 =	vge.f32 v32, v2  }
0xc0: {  	vm4 =	vmand vm4, vm5;
	v24 =	vsub.f32 v34, v33;
	v27 =	vmul.f32 v29, v27  }
0xc1: {  	v25 =	vsub.f32 v45, v32;
	vm9 =	vmand vm13, vm10;
	vm0 =	vmand vm0, vm2  }
0xc2: {  	vm8 =	vmand vm8, vm9;
	vm0 =	vmand vm1, vm0;
	vm1 =	vnez.u8 v5;
	v5 =	vld [tilespmem:$0x1FF60]  }
0xc3: {  	vm5 =	vmand vm6, vm7;
	v24 =	vmul.f32 v25, v24;
	v27 =	vnsel vm8, $0x0, v27  }
0xc4: {  	vm4 =	vmand vm4, vm5;
	v16 =	vadd.f32 v16, v27  }
0xc5: {  	v24 =	vnsel vm4, $0x0, v24  }
0xc6: {  	v16 =	vadd.f32 v16, v24  }
0xc7: {  	vm2 =	vnez.u8 v5;
	v5 =	vld [tilespmem:$0x1FF70]  }
0xc8: {  	v16 =	vadd.f32 v16, v22;
	_ =	sdelay $0x1  }
0xc9: {  	v16 =	vadd.f32 v16, v19;
	v19 =	vmul.f32 v44, v42;
	_ =	sdelay $0x1  }
0xca: {  	v0 =	vadd.f32 v16, v0;
	v16 =	vnsel vm0, $0x0, v19;
	vm0 =	vnez.u8 v5;
	v5 =	vld [tilespmem:$0x1FF80];
	_ =	sdelay $0x4  }
0xcb: {  	vm1 =	vmand vm1, vm2;
	vm2 =	vnez.u8 v5;
	v5 =	vld [tilespmem:$0x1FEE0];
	_ =	sdelay $0x3  }
0xcc: {  	vm0 =	vmand vm0, vm2  }
0xcd: {  	vm0 =	vmand vm1, vm0;
	vm1 =	vnez.u8 v5;
	v5 =	vld [tilespmem:$0x1FF00];
	_ =	sdelay $0x4  }
0xce: {  	vm2 =	vnez.u8 v5;
	v5 =	vld [tilespmem:$0x1FF20];
	_ =	sdelay $0x2  }
0xcf: {  	v19 =	vmul.f32 v36, v35;
	_ =	sdelay $0x1  }
0xd0: {  	v0 =	vadd.f32 v0, v16;
	v16 =	vnsel vm0, $0x0, v19;
	vm0 =	vnez.u8 v5;
	v5 =	vld [tilespmem:$0x1FF30];
	_ =	sdelay $0x4  }
0xd1: {  	vm1 =	vmand vm1, vm2;
	vm2 =	vnez.u8 v5;
	v5 =	vld [tilespmem:$0x1FE80];
	_ =	sdelay $0x3  }
0xd2: {  	vm0 =	vmand vm0, vm2  }
0xd3: {  	vm0 =	vmand vm1, vm0;
	vm1 =	vnez.u8 v5;
	v5 =	vld [tilespmem:$0x1FE90];
	_ =	sdelay $0x4  }
0xd4: {  	vm2 =	vnez.u8 v5;
	v5 =	vld [tilespmem:$0x1FEB0];
	_ =	sdelay $0x2  }
0xd5: {  	v19 =	vmul.f32 v28, v26;
	_ =	sdelay $0x1  }
0xd6: {  	v0 =	vadd.f32 v0, v16;
	v16 =	vnsel vm0, $0x0, v19;
	vm0 =	vnez.u8 v5;
	v5 =	vld [tilespmem:$0x1FEC0];
	_ =	sdelay $0x4  }
0xd7: {  	vm1 =	vmand vm1, vm2;
	vm2 =	vnez.u8 v5;
	v5 =	vld [tilespmem:$0x1FE20];
	_ =	sdelay $0x3  }
0xd8: {  	vm0 =	vmand vm0, vm2  }
0xd9: {  	vm0 =	vmand vm1, vm0;
	vm1 =	vnez.u8 v5;
	v5 =	vld [tilespmem:$0x1FE30];
	_ =	sdelay $0x4  }
0xda: {  	vm2 =	vnez.u8 v5;
	v5 =	vld [tilespmem:$0x1FE50];
	_ =	sdelay $0x2  }
0xdb: {  	v18 =	vmul.f32 v20, v18;
	_ =	sdelay $0x1  }
0xdc: {  	v0 =	vadd.f32 v0, v16;
	v16 =	vnsel vm0, $0x0, v18;
	vm0 =	vnez.u8 v5;
	v5 =	vld [tilespmem:$0x1FE70];
	_ =	sdelay $0x4  }
0xdd: {  	vm1 =	vmand vm1, vm2;
	vm2 =	vnez.u8 v5;
	v5 =	vld [tilespmem:$0x1FDE0];
	_ =	sdelay $0x3  }
0xde: {  	vm0 =	vmand vm0, vm2  }
0xdf: {  	vm0 =	vmand vm1, vm0;
	vm1 =	vnez.u8 v5;
	v5 =	vld [tilespmem:$0x1FDF0];
	_ =	sdelay $0x4  }
0xe0: {  	vm2 =	vnez.u8 v5;
	v5 =	vld [tilespmem:$0x1FE00];
	_ =	sdelay $0x2  }
0xe1: {  	v15 =	vmul.f32 v17, v15;
	_ =	sdelay $0x1  }
0xe2: {  	v15 =	vnsel vm0, $0x0, v15;
	vm0 =	vnez.u8 v5;
	v5 =	vld [tilespmem:$0x1FE10];
	_ =	sdelay $0x4  }
0xe3: {  	vm1 =	vmand vm1, vm2;
	vm2 =	vnez.u8 v5;
	v5 =	vld [tilespmem:$0x1FD10];
	_ =	sdelay $0x3  }
0xe4: {  	vm0 =	vmand vm0, vm2  }
0xe5: {  	vm0 =	vmand vm1, vm0;
	vm1 =	vnez.u8 v5;
	v5 =	vld [tilespmem:$0x1FD20];
	_ =	sdelay $0x4  }
0xe6: {  	vm2 =	vnez.u8 v5;
	v5 =	vld [tilespmem:$0x1FD30];
	_ =	sdelay $0x2  }
0xe7: {  	v13 =	vmul.f32 v14, v13;
	_ =	sdelay $0x1  }
0xe8: {  	v13 =	vnsel vm0, $0x0, v13;
	vm0 =	vnez.u8 v5;
	v5 =	vld [tilespmem:$0x1FD50];
	_ =	sdelay $0x4  }
0xe9: {  	vm1 =	vmand vm1, vm2;
	vm2 =	vnez.u8 v5;
	v5 =	vld [tilespmem:$0x1FCF0];
	_ =	sdelay $0x3  }
0xea: {  	vm0 =	vmand vm0, vm2  }
0xeb: {  	vm0 =	vmand vm1, vm0;
	vm1 =	vnez.u8 v5;
	v5 =	vld [tilespmem:$0x1FBC0];
	_ =	sdelay $0x4  }
0xec: {  	vm2 =	vnez.u8 v5;
	v5 =	vld [tilespmem:$0x1FD00];
	_ =	sdelay $0x2  }
0xed: {  	v11 =	vmul.f32 v12, v11;
	_ =	sdelay $0x1  }
0xee: {  	v11 =	vnsel vm0, $0x0, v11;
	vm0 =	vnez.u8 v5;
	v5 =	vld [tilespmem:$0x1FBD0];
	_ =	sdelay $0x4  }
0xef: {  	vm1 =	vmand vm2, vm1;
	vm2 =	vnez.u8 v5;
	v5 =	vld [tilespmem:$0x1FBE0];
	_ =	sdelay $0x3  }
0xf0: {  	vm0 =	vmand vm2, vm0  }
0xf1: {  	vm0 =	vmand vm1, vm0;
	vm1 =	vnez.u8 v5;
	v5 =	vld [tilespmem:$0x1FBF0];
	_ =	sdelay $0x4  }
0xf2: {  	vm2 =	vnez.u8 v5;
	v5 =	vld [tilespmem:$0x1FC00];
	_ =	sdelay $0x2  }
0xf3: {  	v9 =	vmul.f32 v10, v9;
	_ =	sdelay $0x1  }
0xf4: {  	v9 =	vnsel vm0, $0x0, v9;
	vm0 =	vnez.u8 v5;
	v5 =	vld [tilespmem:$0x1FC10];
	_ =	sdelay $0x4  }
0xf5: {  	vm1 =	vmand vm2, vm1;
	vm2 =	vnez.u8 v5;
	v5 =	vld [tilespmem:$0x1FC20];
	_ =	sdelay $0x3  }
0xf6: {  	vm0 =	vmand vm2, vm0  }
0xf7: {  	vm0 =	vmand vm1, vm0;
	vm1 =	vnez.u8 v5;
	v5 =	vld [tilespmem:$0x1FC30];
	_ =	sdelay $0x4  }
0xf8: {  	vm2 =	vnez.u8 v5;
	v5 =	vld [tilespmem:$0x1FCE0];
	_ =	sdelay $0x4  }
0xf9: {  	v5 =	vmul.f32 v6, v5;
	v6 =	vld [tilespmem:$0x1FC40];
	_ =	sdelay $0x1  }
0xfa: {  	v0 =	vadd.f32 v0, v16  }
0xfb: {  	s18 =	sadd.s32 $0x80, s18;
	v7 =	vmul.f32 v8, v7  }
0xfc: {  	s19 =	sand.u32 $0x70, s17;
	s20 =	sand.u32 $0xFC00, s18;
	v0 =	vadd.f32 v0, v15  }
0xfd: {  	s19 =	sor.u32 s19, s20;
	v7 =	vnsel vm0, $0x0, v7;
	vm0 =	vnez.u8 v6;
	v6 =	vld [tilespmem:$0x1FC50]  }
0xfe: {  	v10 =	vld [tilespmem:s19+$0x100];
	v0 =	vadd.f32 v0, v13  }
0xff: {  	v12 =	vld [tilespmem:s19+$0x0]  }
0x100: {  	v13 =	vld [tilespmem:s19+$0x80];
	v0 =	vadd.f32 v0, v11  }
0x101: {  	v11 =	vld [tilespmem:s19+$0x180]  }
0x102: {  	v0 =	vadd.f32 v0, v9;
	vm1 =	vmand vm1, vm2;
	vm2 =	vnez.u8 v6  }
0x103: {  	v8 =	vbroadcast v10, $0xF;
	vm0 =	vmand vm0, vm2  }
0x104: {  	v0 =	vadd.f32 v0, v7;
	vm0 =	vmand vm1, vm0  }
0x105: {  	vm5 =	vle.f32 v8, v3;
	v6 =	vbroadcast v12, $0xF;
	v5 =	vnsel vm0, $0x0, v5  }
0x106: {  	v20 =	vbroadcast v13, $0xD;
	v18 =	vbroadcast v11, $0xE;
	v0 =	vadd.f32 v0, v5  }
0x107: {  	v35 =	vbroadcast v11, $0xD;
	vm6 =	vge.f32 v6, v1;
	v6 =	vsub.f32 v8, v6  }
0x108: {  	v8 =	vimm.s32 $0x0;
	vm0 =	vge.f32 v20, v2;
	[tilespmem:$0x1FDD0] =	vst v0;
	v0 =	vbroadcast v13, $0xE  }
0x109: {  	v28 =	vbroadcast v12, $0xC;
	v8 =	vsel vm0, $0xFFFFFFFF, v8;
	vm0 =	vle.f32 v35, v4  }
0x10a: {  	[tilespmem:$0x1FCF0] =	vst v8;
	vm12 =	vge.f32 v0, v2;
	v8 =	vsub.f32 v18, v0;
	v0 =	vimm.s32 $0x0  }
0x10b: {  	v0 =	vsel vm0, $0xFFFFFFFF, v0  }
0x10c: {  	v36 =	vbroadcast v13, $0xC;
	vm0 =	vge.f32 v28, v1;
	[tilespmem:$0x1FD00] =	vst v0;
	v0 =	vimm.s32 $0x0  }
0x10d: {  	v0 =	vsel vm0, $0xFFFFFFFF, v0  }
0x10e: {  	v42 =	vbroadcast v10, $0xC;
	vm0 =	vge.f32 v36, v2;
	[tilespmem:$0x1FD10] =	vst v0;
	v0 =	vimm.s32 $0x0  }
0x10f: {  	v0 =	vsel vm0, $0xFFFFFFFF, v0  }
0x110: {  	v47 =	vbroadcast v11, $0xC;
	vm0 =	vle.f32 v42, v3;
	[tilespmem:$0x1FD20] =	vst v0;
	v0 =	vimm.s32 $0x0  }
0x111: {  	v0 =	vsel vm0, $0xFFFFFFFF, v0  }
0x112: {  	v44 =	vbroadcast v12, $0xB;
	vm0 =	vle.f32 v47, v4;
	[tilespmem:$0x1FD30] =	vst v0;
	v0 =	vimm.s32 $0x0  }
0x113: {  	v0 =	vsel vm0, $0xFFFFFFFF, v0  }
0x114: {  	v49 =	vbroadcast v13, $0xB;
	vm0 =	vge.f32 v44, v1;
	[tilespmem:$0x1FD50] =	vst v0;
	v0 =	vimm.s32 $0x0  }
0x115: {  	v0 =	vsel vm0, $0xFFFFFFFF, v0  }
0x116: {  	v50 =	vbroadcast v10, $0xB;
	vm0 =	vge.f32 v49, v2;
	[tilespmem:$0x1FDE0] =	vst v0;
	v0 =	vimm.s32 $0x0  }
0x117: {  	v0 =	vsel vm0, $0xFFFFFFFF, v0  }
0x118: {  	v52 =	vbroadcast v11, $0xB;
	vm0 =	vle.f32 v50, v3;
	[tilespmem:$0x1FDF0] =	vst v0;
	v0 =	vimm.s32 $0x0  }
0x119: {  	v17 =	vbroadcast v12, $0xD;
	v51 =	vbroadcast v12, $0xA;
	v0 =	vsel vm0, $0xFFFFFFFF, v0  }
0x11a: {  	v54 =	vbroadcast v10, $0xA;
	vm0 =	vle.f32 v52, v4;
	[tilespmem:$0x1FE00] =	vst v0;
	v0 =	vimm.s32 $0x0  }
0x11b: {  	v55 =	vbroadcast v12, $0x9;
	v58 =	vbroadcast v10, $0x9;
	v0 =	vsel vm0, $0xFFFFFFFF, v0  }
0x11c: {  	v53 =	vbroadcast v13, $0xA;
	vm0 =	vge.f32 v51, v1;
	[tilespmem:$0x1FE10] =	vst v0;
	v0 =	vimm.s32 $0x0  }
0x11d: {  	v59 =	vbroadcast v12, $0x8;
	v62 =	vbroadcast v10, $0x8;
	v0 =	vsel vm0, $0xFFFFFFFF, v0  }
0x11e: {  	v63 =	vbroadcast v12, $0x7;
	vm0 =	vge.f32 v53, v2;
	[tilespmem:$0x1FE20] =	vst v0;
	v0 =	vimm.s32 $0x0  }
0x11f: {  	v39 =	vbroadcast v10, $0x1;
	vm14 =	vge.f32 v17, v1;
	v0 =	vsel vm0, $0xFFFFFFFF, v0  }
0x120: {  	v56 =	vbroadcast v11, $0xA;
	vm0 =	vle.f32 v54, v3;
	[tilespmem:$0x1FE30] =	vst v0;
	v0 =	vimm.s32 $0x0  }
0x121: {  	v37 =	vbroadcast v12, $0x1;
	v33 =	vbroadcast v12, $0x2;
	v0 =	vsel vm0, $0xFFFFFFFF, v0  }
0x122: {  	v34 =	vbroadcast v10, $0x2;
	vm0 =	vle.f32 v56, v4;
	[tilespmem:$0x1FE50] =	vst v0;
	v0 =	vimm.s32 $0x0  }
0x123: {  	v21 =	vbroadcast v12, $0x6;
	v25 =	vbroadcast v12, $0x5;
	v0 =	vsel vm0, $0xFFFFFFFF, v0  }
0x124: {  	v57 =	vbroadcast v13, $0x9;
	vm0 =	vge.f32 v55, v1;
	[tilespmem:$0x1FE70] =	vst v0;
	v0 =	vimm.s32 $0x0  }
0x125: {  	v40 =	vbroadcast v12, $0x0;
	v43 =	vbroadcast v10, $0x0;
	v0 =	vsel vm0, $0xFFFFFFFF, v0  }
0x126: {  	v31 =	vbroadcast v10, $0x3;
	vm0 =	vge.f32 v57, v2;
	[tilespmem:$0x1FE80] =	vst v0;
	v0 =	vimm.s32 $0x0  }
0x127: {  	v30 =	vbroadcast v12, $0x4;
	v26 =	vbroadcast v10, $0xD;
	v0 =	vsel vm0, $0xFFFFFFFF, v0  }
0x128: {  	v60 =	vbroadcast v11, $0x9;
	vm0 =	vle.f32 v58, v3;
	[tilespmem:$0x1FE90] =	vst v0;
	v0 =	vimm.s32 $0x0  }
0x129: {  	v24 =	vbroadcast v10, $0x6;
	v15 =	vbroadcast v10, $0xE;
	v0 =	vsel vm0, $0xFFFFFFFF, v0  }
0x12a: {  	vm15 =	vle.f32 v26, v3;
	vm0 =	vle.f32 v60, v4;
	[tilespmem:$0x1FEB0] =	vst v0;
	v0 =	vimm.s32 $0x0  }
0x12b: {  	v19 =	vbroadcast v10, $0x7;
	vm10 =	vle.f32 v15, v3;
	v0 =	vsel vm0, $0xFFFFFFFF, v0  }
0x12c: {  	v61 =	vbroadcast v13, $0x8;
	vm0 =	vge.f32 v59, v1;
	[tilespmem:$0x1FEC0] =	vst v0;
	v0 =	vimm.s32 $0x0  }
0x12d: {  	v16 =	vbroadcast v13, $0x7;
	v23 =	vbroadcast v13, $0x6;
	v0 =	vsel vm0, $0xFFFFFFFF, v0  }
0x12e: {  	v29 =	vbroadcast v13, $0x5;
	vm0 =	vge.f32 v61, v2;
	[tilespmem:$0x1FEE0] =	vst v0;
	v0 =	vimm.s32 $0x0  }
0x12f: {  	[tilespmem:$0x1FC80] =	vst v30;
	v32 =	vbroadcast v13, $0x2;
	v38 =	vbroadcast v13, $0x1;
	v0 =	vsel vm0, $0xFFFFFFFF, v0  }
0x130: {  	v5 =	vbroadcast v11, $0x8;
	vm0 =	vle.f32 v62, v3;
	[tilespmem:$0x1FF00] =	vst v0;
	v0 =	vimm.s32 $0x0  }
0x131: {  	v41 =	vbroadcast v13, $0x0;
	[tilespmem:$0x1FC70] =	vst v29;
	v30 =	vbroadcast v11, $0x5;
	v0 =	vsel vm0, $0xFFFFFFFF, v0  }
0x132: {  	v29 =	vbroadcast v10, $0x5;
	vm0 =	vle.f32 v5, v4;
	[tilespmem:$0x1FF20] =	vst v0;
	v0 =	vimm.s32 $0x0  }
0x133: {  	v14 =	vbroadcast v11, $0xF;
	[tilespmem:$0x1FC90] =	vst v30;
	v30 =	vbroadcast v13, $0x4;
	v0 =	vsel vm0, $0xFFFFFFFF, v0  }
0x134: {  	v22 =	vbroadcast v11, $0x7;
	vm0 =	vge.f32 v63, v1;
	[tilespmem:$0x1FF30] =	vst v0;
	v0 =	vimm.s32 $0x0  }
0x135: {  	v27 =	vbroadcast v11, $0x6;
	[tilespmem:$0x1FCA0] =	vst v30;
	v30 =	vbroadcast v10, $0x4;
	v0 =	vsel vm0, $0xFFFFFFFF, v0  }
0x136: {  	v45 =	vbroadcast v11, $0x2;
	vm0 =	vge.f32 v16, v2;
	[tilespmem:$0x1FF50] =	vst v0;
	v0 =	vimm.s32 $0x0  }
0x137: {  	v46 =	vbroadcast v11, $0x1;
	[tilespmem:$0x1FCB0] =	vst v30;
	v30 =	vbroadcast v12, $0x3;
	v0 =	vsel vm0, $0xFFFFFFFF, v0  }
0x138: {  	v48 =	vbroadcast v11, $0x0;
	vm0 =	vle.f32 v19, v3;
	[tilespmem:$0x1FF60] =	vst v0;
	v0 =	vimm.s32 $0x0  }
0x139: {  	vm7 =	vle.f32 v14, v4;
	[tilespmem:$0x1FC60] =	vst v30;
	v30 =	vbroadcast v11, $0x4;
	v0 =	vsel vm0, $0xFFFFFFFF, v0  }
0x13a: {  	vm13 =	vle.f32 v18, v4;
	vm0 =	vle.f32 v22, v4;
	[tilespmem:$0x1FF70] =	vst v0;
	v0 =	vimm.s32 $0x0  }
0x13b: {  	v10 =	vsub.f32 v35, v20;
	[tilespmem:$0x1FCC0] =	vst v30;
	v30 =	vbroadcast v13, $0x3;
	v0 =	vsel vm0, $0xFFFFFFFF, v0  }
0x13c: {  	v9 =	vbroadcast v12, $0xE;
	vm0 =	vge.f32 v21, v1;
	[tilespmem:$0x1FF80] =	vst v0;
	v0 =	vimm.s32 $0x0  }
0x13d: {  	[tilespmem:$0x1FCD0] =	vst v30;
	v30 =	vbroadcast v11, $0x3;
	v7 =	vbroadcast v13, $0xF;
	v0 =	vsel vm0, $0xFFFFFFFF, v0  }
0x13e: {  	vm9 =	vge.f32 v9, v1;
	vm0 =	vge.f32 v23, v2;
	[tilespmem:$0x1FF90] =	vst v0;
	v0 =	vimm.s32 $0x0  }
0x13f: {  	vm8 =	vge.f32 v7, v2;
	v12 =	vsub.f32 v47, v36;
	v0 =	vsel vm0, $0xFFFFFFFF, v0  }
0x140: {  	v20 =	vsub.f32 v60, v57;
	vm0 =	vle.f32 v24, v3;
	[tilespmem:$0x1FFA0] =	vst v0;
	v0 =	vimm.s32 $0x0  }
0x141: {  	[tilespmem:$0x1FCE0] =	vst v6;
	v6 =	vsub.f32 v14, v7;
	v7 =	vsub.f32 v15, v9;
	v0 =	vsel vm0, $0xFFFFFFFF, v0  }
0x142: {  	v9 =	vsub.f32 v26, v17;
	vm0 =	vle.f32 v27, v4;
	[tilespmem:$0x1FFB0] =	vst v0;
	v0 =	vimm.s32 $0x0  }
0x143: {  	v13 =	vsub.f32 v50, v44;
	v44 =	vsub.f32 v27, v23;
	v23 =	vld [tilespmem:$0x1FC90];
	v0 =	vsel vm0, $0xFFFFFFFF, v0  }
0x144: {  	v11 =	vsub.f32 v42, v28;
	vm0 =	vge.f32 v25, v1;
	[tilespmem:$0x1FFC0] =	vst v0;
	v0 =	vimm.s32 $0x0  }
0x145: {  	p0 =	sne.s32 s17, $0x13F0;
	v14 =	vsub.f32 v52, v49;
	v42 =	vsub.f32 v24, v21;
	v24 =	vld [tilespmem:$0x1FC70];
	v0 =	vsel vm0, $0xFFFFFFFF, v0  }
.Ltmp0:
0x146: {  	v15 =	vsub.f32 v54, v51;
	vm0 =	vle.f32 v29, v3;
	[tilespmem:$0x1FFD0] =	vst v0;
	v0 =	vimm.s32 $0x0;
	(pc) =	sbr.rel @p0 .LBB2_2-.Ltmp0, $4  }
0x147: {  	v17 =	vsub.f32 v56, v53;
	v36 =	vsub.f32 v22, v16;
	v22 =	vld [tilespmem:$0x1FC60];
	v0 =	vsel vm0, $0xFFFFFFFF, v0  }
0x148: {  	v26 =	vsub.f32 v62, v59;
	v27 =	vld [tilespmem:$0x1FC80];
	vm0 =	vle.f32 v23, v4;
	[tilespmem:$0x1FFE0] =	vst v0;
	v0 =	vimm.s32 $0x0  }
0x149: {  	v35 =	vsub.f32 v19, v63;
	v47 =	vsub.f32 v29, v25;
	v25 =	vld [tilespmem:$0x1FCA0];
	v0 =	vsel vm0, $0xFFFFFFFF, v0  }
0x14a: {  	s17 =	sadd.s32 $0x10, s17;
	v18 =	vsub.f32 v58, v55;
	v28 =	vsub.f32 v5, v61;
	vm11 =	vge.f32 v24, v2;
	v29 =	vld [tilespmem:$0x1FCB0];
	[tilespmem:$0x1FFF0] =	vst v0  }
0x14b: {  	vm0 =	vge.f32 v40, v1;
	vm1 =	vge.f32 v41, v2  }
0x14c: {  	vm2 =	vle.f32 v43, v3;
	vm3 =	vle.f32 v48, v4;
	v0 =	vsub.f32 v43, v40  }
0x14d: {  	v5 =	vsub.f32 v39, v37;
	v16 =	vsub.f32 v48, v41;
	v59 =	vmul.f32 v44, v42  }
0x14e: {  	v19 =	vsub.f32 v46, v38;
	v15 =	vmul.f32 v17, v15;
	v13 =	vmul.f32 v14, v13  }
0x14f: {  	v49 =	vsub.f32 v23, v24;
	v11 =	vmul.f32 v12, v11;
	v9 =	vmul.f32 v10, v9  }
0x150: {  	v7 =	vmul.f32 v8, v7;
	vm0 =	vmand vm0, vm1;
	vm4 =	vmand vm2, vm3  }
0x151: {  	vm1 =	vge.f32 v37, v1;
	vm2 =	vge.f32 v38, v2;
	v38 =	vsub.f32 v34, v33  }
0x152: {  	v21 =	vld [tilespmem:$0x1FCD0];
	vm3 =	vle.f32 v39, v3;
	v39 =	vsub.f32 v45, v32;
	v40 =	vsub.f32 v31, v22  }
0x153: {  	v41 =	vld [tilespmem:$0x1FDD0];
	vm0 =	vmand vm0, vm4;
	vm4 =	vle.f32 v46, v4;
	vm1 =	vmand vm1, vm2  }
0x154: {  	v50 =	vld [tilespmem:$0x1FFD0];
	v0 =	vmul.f32 v16, v0;
	v5 =	vmul.f32 v19, v5;
	vm2 =	vmand vm3, vm4  }
0x155: {  	v52 =	vld [tilespmem:$0x1FFE0];
	vm3 =	vge.f32 v33, v1;
	vm4 =	vge.f32 v32, v2;
	v16 =	vmul.f32 v39, v38  }
0x156: {  	v46 =	vld [tilespmem:$0x1FCC0];
	v0 =	vnsel vm0, $0x0, v0;
	vm0 =	vmand vm1, vm2;
	vm1 =	vmand vm3, vm4  }
0x157: {  	v53 =	vld [tilespmem:$0x1FFF0];
	vm4 =	vle.f32 v45, v4;
	vm2 =	vle.f32 v31, v3;
	vm3 =	vle.f32 v30, v4  }
0x158: {  	v54 =	vld [tilespmem:$0x1FF90];
	v45 =	vsub.f32 v29, v27;
	v5 =	vnsel vm0, $0x0, v5;
	vm0 =	vle.f32 v34, v3  }
0x159: {  	v55 =	vld [tilespmem:$0x1FFA0];
	v0 =	vadd.f32 v0, v41;
	vm0 =	vmand vm0, vm4;
	vm4 =	vge.f32 v21, v2  }
0x15a: {  	v57 =	vld [tilespmem:$0x1FFB0];
	v21 =	vsub.f32 v30, v21;
	v30 =	vmul.f32 v28, v26;
	vm0 =	vmand vm1, vm0  }
0x15b: {  	v58 =	vld [tilespmem:$0x1FFC0];
	vm1 =	vge.f32 v22, v1;
	v0 =	vadd.f32 v0, v5;
	v48 =	vsub.f32 v46, v25  }
0x15c: {  	v60 =	vld [tilespmem:$0x1FF50];
	v22 =	vmul.f32 v36, v35;
	v36 =	vmul.f32 v20, v18;
	vm1 =	vmand vm1, vm4  }
0x15d: {  	v61 =	vld [tilespmem:$0x1FF60];
	v16 =	vnsel vm0, $0x0, v16;
	vm0 =	vmand vm2, vm3;
	v19 =	vmul.f32 v21, v40  }
0x15e: {  	v63 =	vld [tilespmem:$0x1FF70];
	vm2 =	vge.f32 v27, v1;
	vm3 =	vge.f32 v25, v2;
	vm4 =	vle.f32 v46, v4  }
0x15f: {  	v23 =	vld [tilespmem:$0x1FEE0];
	vm0 =	vmand vm1, vm0;
	vm1 =	vmand vm2, vm3;
	v0 =	vadd.f32 v0, v16  }
0x160: {  	v24 =	vld [tilespmem:$0x1FF00];
	v16 =	vmul.f32 v49, v47;
	v43 =	vnsel vm0, $0x0, v19;
	vm0 =	vle.f32 v29, v3  }
0x161: {  	v42 =	vld [tilespmem:$0x1FDE0];
	v19 =	vmul.f32 v48, v45;
	vm0 =	vmand vm0, vm4;
	vm4 =	vnez.u8 v50  }
0x162: {  	v37 =	vld [tilespmem:$0x1FE20];
	v0 =	vadd.f32 v0, v43;
	vm0 =	vmand vm1, vm0;
	vm1 =	vmand vm4, vm11  }
0x163: {  	v32 =	vld [tilespmem:$0x1FE90];
	vm11 =	vnez.u8 v52;
	vm4 =	vnez.u8 v53;
	v51 =	vnsel vm0, $0x0, v19  }
0x164: {  	v21 =	vld [tilespmem:$0x1FF80];
	vm0 =	vmand vm11, vm4;
	vm11 =	vnez.u8 v54;
	vm4 =	vnez.u8 v55  }
0x165: {  	v38 =	vld [tilespmem:$0x1FE30];
	vm0 =	vmand vm1, vm0;
	vm1 =	vmand vm11, vm4;
	v0 =	vadd.f32 v0, v51  }
0x166: {  	v27 =	vld [tilespmem:$0x1FF20];
	vm11 =	vnez.u8 v57;
	vm4 =	vnez.u8 v58;
	v56 =	vnsel vm0, $0x0, v16  }
0x167: {  	v29 =	vld [tilespmem:$0x1FF30];
	vm0 =	vmand vm11, vm4;
	vm11 =	vnez.u8 v60;
	vm4 =	vnez.u8 v61  }
0x168: {  	v31 =	vld [tilespmem:$0x1FE80];
	vm0 =	vmand vm1, vm0;
	vm1 =	vmand vm11, vm4;
	v0 =	vadd.f32 v0, v56  }
0x169: {  	v34 =	vld [tilespmem:$0x1FEB0];
	vm11 =	vnez.u8 v63;
	vm4 =	vnez.u8 v21;
	v62 =	vnsel vm0, $0x0, v59  }
0x16a: {  	v35 =	vld [tilespmem:$0x1FEC0];
	vm0 =	vmand vm11, vm4;
	vm11 =	vnez.u8 v23;
	vm4 =	vnez.u8 v24  }
0x16b: {  	v41 =	vld [tilespmem:$0x1FE70];
	vm0 =	vmand vm1, vm0;
	vm1 =	vmand vm11, vm4;
	v0 =	vadd.f32 v0, v62  }
0x16c: {  	v40 =	vld [tilespmem:$0x1FE50];
	vm11 =	vnez.u8 v27;
	vm4 =	vnez.u8 v29;
	v25 =	vnsel vm0, $0x0, v22  }
0x16d: {  	v46 =	vld [tilespmem:$0x1FE10];
	vm0 =	vmand vm11, vm4;
	vm11 =	vnez.u8 v31;
	vm4 =	vnez.u8 v32  }
0x16e: {  	v43 =	vld [tilespmem:$0x1FDF0];
	vm0 =	vmand vm1, vm0;
	vm1 =	vmand vm11, vm4;
	v0 =	vadd.f32 v0, v25  }
0x16f: {  	v47 =	vld [tilespmem:$0x1FD10];
	vm11 =	vnez.u8 v34;
	vm4 =	vnez.u8 v35;
	v33 =	vnsel vm0, $0x0, v30  }
0x170: {  	v45 =	vld [tilespmem:$0x1FE00];
	vm0 =	vmand vm11, vm4;
	vm11 =	vnez.u8 v37;
	vm4 =	vnez.u8 v38  }
0x171: {  	v48 =	vld [tilespmem:$0x1FD20];
	vm0 =	vmand vm1, vm0;
	vm1 =	vmand vm11, vm4;
	v0 =	vadd.f32 v0, v33  }
0x172: {  	v50 =	vld [tilespmem:$0x1FD30];
	vm11 =	vnez.u8 v40;
	vm4 =	vnez.u8 v41;
	v39 =	vnsel vm0, $0x0, v36  }
0x173: {  	v51 =	vld [tilespmem:$0x1FD50];
	vm0 =	vmand vm11, vm4;
	vm11 =	vnez.u8 v42;
	vm4 =	vnez.u8 v43  }
0x174: {  	v52 =	vld [tilespmem:$0x1FCF0];
	vm0 =	vmand vm1, vm0;
	vm1 =	vmand vm11, vm4;
	v0 =	vadd.f32 v0, v39  }
0x175: {  	v54 =	vld [tilespmem:$0x1FD00];
	vm11 =	vnez.u8 v45;
	vm4 =	vnez.u8 v46;
	v44 =	vnsel vm0, $0x0, v15  }
0x176: {  	vm0 =	vmand vm11, vm4;
	vm11 =	vnez.u8 v47;
	vm4 =	vnez.u8 v48  }
0x177: {  	v57 =	vsub.f32 v4, v2;
	vm0 =	vmand vm1, vm0;
	vm1 =	vmand vm11, vm4  }
0x178: {  	v0 =	vadd.f32 v0, v44;
	vm11 =	vnez.u8 v50;
	vm4 =	vnez.u8 v51  }
0x179: {  	v59 =	vld [tilespmem:$0x1FCE0];
	v49 =	vnsel vm0, $0x0, v13;
	vm0 =	vmand vm11, vm4;
	vm11 =	vnez.u8 v52  }
0x17a: {  	vm4 =	vnez.u8 v54;
	vm0 =	vmand vm1, vm0;
	v0 =	vadd.f32 v0, v49  }
0x17b: {  	vm1 =	vmand vm14, vm11;
	v53 =	vnsel vm0, $0x0, v11;
	vm0 =	vmand vm15, vm4  }
0x17c: {  	v56 =	vsub.f32 v3, v1;
	vm0 =	vmand vm1, vm0;
	v0 =	vadd.f32 v0, v53  }
0x17d: {  	vm11 =	vmand vm9, vm12;
	vm12 =	vmand vm10, vm13;
	v55 =	vnsel vm0, $0x0, v9  }
0x17e: {  	v4 =	vmul.f32 v6, v59;
	vm0 =	vmand vm11, vm12;
	v0 =	vadd.f32 v0, v55  }
0x17f: {  	vm13 =	vmand vm6, vm8;
	vm14 =	vmand vm5, vm7;
	v58 =	vnsel vm0, $0x0, v7  }
0x180: {  	v1 =	vmul.f32 v57, v56;
	vm0 =	vmand vm13, vm14;
	v0 =	vadd.f32 v0, v58  }
0x181: {  	v60 =	vnsel vm0, $0x0, v4  }
0x182: {  	v61 =	vadd.f32 $9.999999710e-10, v1;
	v0 =	vadd.f32 v0, v60;
	_ =	sdelay $0x1  }
0x183: {  	v62 =	vmul.f32 $8.000000110e-01, v61;
	v0 =	vsub.f32 v0, v1;
	_ =	sdelay $0x1  }
0x184: {  	s16 =	sadd.s32 $0x1, s16;
	v63 =	vimm.f32 $0.0e+00;
	vm15 =	vle.f32 v0, v62  }
0x185: {  	p0 =	sne.s32 s16, s9;
	v0 =	vsel vm15, $0x3F800000, v63  }
.Ltmp1:
0x186: {  	[tilespmem:$0xA200] =	vst v0;
	(pc) =	sbr.rel @p0 .LBB2_1-.Ltmp1, $4  }
0x187: {  	[hbm4b:s8+s2] =	stream.linear.scatter [tilespmem:s15], [sflag:$0x1], $0x10, $0x38;
	[tilespmem:$0xA280] =	vst v63  }
0x188: {  	_ =	swait.ge [sflag:s10], $0x10  }
0x189: {  	[sflag:s10] =	ssyncset.done $0x0  }
0x18a: {  	[sflag:s10] =	ssyncadd.s32 $0xFFFFFFF0  }
0x18b: {  	_ =	sfence.sel $0x180000  }
0x18c: {  	[bflag:$0x0] =	sbarrier.arrive $0xFFFF  }
0x18d: {  	p0 =	sne.s32 s1, $0x0;
	_ =	strace $0x90000047  }
0x18e: {  	s0 =	sadd.s32 @!p0 $0x100000, s0;
	[bflag:$0x2] =	sbarrier.arrive $0xFFFF  }
0x18f: {  	[sflag:s0] =	ssyncadd.tile.s32 @!p0 $0x1;
	_ =	shalt  }
.Lfunc_end2:
_tile_overlayer_lowered:
.L_overlay_start_2:
0x190: {  	(tag) =	ssettag $0x2  }
0x191: {  	s0 =	rddreg [dreg:$0x0];
	s2 =	stileid.u32  }
0x192: {  	s1 =	rddreg [dreg:$0x1];
	p0 =	sne.s32 s2, $0x0  }
0x193: {  	s3 =	rddreg [dreg:$0x2];
	[bflag:$0x3] =	sbarrier.arrive $0xFFFF;
	s2 =	simm.s32 @!p0 $0x1C01  }
0x194: {  	[timem:s3], [sflag:s2] =	dma.local @!p0 [hbm:s0], s1  }
0x195: {  	s0 =	simm.s32 @!p0 $0x1  }
0x196: {  	_ =	swait.ge @!p0 [sflag:s0], s1  }
0x197: {  	s1 =	ssub.s32 @!p0 $0x0, s1;
	[sflag:s0] =	ssyncset.done @!p0 $0x0  }
0x198: {  	[sflag:s0] =	ssyncadd.s32 @!p0 s1  }
0x199: {  	[bflag:$0x3] =	sbarrier.arrive $0xFFFF  }
0x19a: {  	_ =	shalt  }

</sc_bundles>
